<compile_context>
chip_gen: v7x
topology: tpu7x:2x2x1
jax: 0.10.2.dev20260603
libtpu: 0.0.44.dev20260713+nightly
codegen_flags: <defaults>
</compile_context>

<pallas_src>
import functools

import jax
import jax.numpy as jnp
from jax import lax
from jax.experimental import pallas as pl
from jax.experimental.pallas import tpu as pltpu
from jax.experimental.pallas import tpu_sc as plsc

B, N = 64, 4096
LANES = 16
NWORKERS = 32
SC_ROWS = 32
TC_ROWS = B - SC_ROWS
CHUNKS = N // LANES
UNROLL = 8
BLK = 512
BISECT_ITERS = 14
INV_TEMP = 10.0
NEG = -10000.0

_mesh = plsc.VectorSubcoreMesh(core_axis_name="c", subcore_axis_name="s")


def _allsum(x, iota):
    for d in (8, 4, 2, 1):
        x = x + x.at[iota ^ d].get(mode="promise_in_bounds")
    return x


def _allmax(x, iota):
    for d in (8, 4, 2, 1):
        x = jnp.maximum(x, x.at[iota ^ d].get(mode="promise_in_bounds"))
    return x


def _clip01(x):
    return jnp.minimum(jnp.maximum(x, 0.0), 1.0)


def _budget_of(len_f32):
    return (0.2 * len_f32 + 0.5).astype(jnp.int32).astype(jnp.float32)


@functools.partial(
    pl.kernel,
    mesh=_mesh,
    out_type=jax.ShapeDtypeStruct((SC_ROWS, N), jnp.float32),
    scratch_types=[
        pltpu.VMEM((1, N), jnp.float32),
        pltpu.VMEM((SC_ROWS,), jnp.int32),
    ],
)
def _sc_part(logits_hbm, len_hbm, out_hbm, th_v, len_v):
    wid = lax.axis_index("s") * 2 + lax.axis_index("c")
    pltpu.sync_copy(logits_hbm.at[pl.ds(wid, 1)], th_v)
    pltpu.sync_copy(len_hbm, len_v)
    iota = lax.iota(jnp.int32, LANES)
    zero = jnp.zeros((LANES,), jnp.float32)

    c16 = (wid // LANES) * LANES
    chunk = len_v[pl.ds(c16, LANES)]
    lane_m = iota == (wid - c16)
    lenv = _allmax(jnp.where(lane_m, chunk, -1), iota)
    budv = _budget_of(lenv.astype(jnp.float32))

    def p1(j, carry):
        mx, s0 = carry
        sl = pl.ds(j * LANES, LANES)
        cols = j * LANES + iota
        t = jnp.where(cols < lenv, th_v[0, sl] * INV_TEMP, NEG)
        th_v[0, sl] = t
        return jnp.maximum(mx, t), s0 + _clip01(t)

    ninf = jnp.full((LANES,), -3.0e38, jnp.float32)
    mx, s0 = lax.fori_loop(0, CHUNKS, p1, (ninf, zero))
    hiv = _allmax(mx, iota)
    s0v = _allsum(s0, iota)

    def bis(_, carry):
        lov, hv = carry
        midv = 0.5 * (lov + hv)

        def inner(j, accs):
            a = list(accs)
            b0 = j * (UNROLL * LANES)
            for k in range(UNROLL):
                t = th_v[0, pl.ds(b0 + k * LANES, LANES)]
                a[k % 4] = a[k % 4] + _clip01(t - midv)
            return tuple(a)

        accs = lax.fori_loop(0, CHUNKS // UNROLL, inner, (zero,) * 4)
        totv = _allsum((accs[0] + accs[1]) + (accs[2] + accs[3]), iota)
        gtv = totv > budv
        return jnp.where(gtv, midv, lov), jnp.where(gtv, hv, midv)

    lov, hv = lax.fori_loop(0, BISECT_ITERS, bis, (zero, hiv))
    tauv = jnp.where(s0v <= budv, zero, 0.5 * (lov + hv))

    def outp(j, acc):
        b0 = j * (4 * LANES)
        for k in range(4):
            sl = pl.ds(b0 + k * LANES, LANES)
            th_v[0, sl] = _clip01(th_v[0, sl] - tauv)
        return acc

    lax.fori_loop(0, CHUNKS // 4, outp, jnp.int32(0))
    pltpu.sync_copy(th_v, out_hbm.at[pl.ds(wid, 1)])


def _rowsum(x):
    ones = jnp.ones((x.shape[1], 1), jnp.float32)
    return lax.dot_general(x, ones, (((1,), (0,)), ((), ())),
                           preferred_element_type=jnp.float32)


def _tc_body(logits_ref, len_ref, out_ref, th_ref):
    lens = len_ref[...]
    buds = _budget_of(lens.astype(jnp.float32))
    nblk = N // BLK

    mx = jnp.full((TC_ROWS, BLK), -3.0e38, jnp.float32)
    s0a = jnp.zeros((TC_ROWS, BLK), jnp.float32)
    base_cols = lax.broadcasted_iota(jnp.int32, (TC_ROWS, BLK), 1)
    for j in range(nblk):
        sl = pl.ds(j * BLK, BLK)
        t = jnp.where(base_cols + (j * BLK) < lens,
                      logits_ref[:, sl] * INV_TEMP, NEG)
        th_ref[:, sl] = t
        mx = jnp.maximum(mx, t)
        s0a = s0a + _clip01(t)
    hi = jnp.max(mx, axis=1, keepdims=True)
    s0 = _rowsum(s0a)
    lo = jnp.zeros_like(hi)

    def bis(_, carry):
        lo, hi = carry
        mid = 0.5 * (lo + hi)
        acc = jnp.zeros((TC_ROWS, BLK), jnp.float32)
        for j in range(nblk):
            acc = acc + _clip01(th_ref[:, pl.ds(j * BLK, BLK)] - mid)
        s = _rowsum(acc)
        gt = s > buds
        return jnp.where(gt, mid, lo), jnp.where(gt, hi, mid)

    lo, hi = lax.fori_loop(0, BISECT_ITERS, bis, (lo, hi))
    tau = jnp.where(s0 <= buds, jnp.zeros_like(lo), 0.5 * (lo + hi))

    for j in range(nblk):
        sl = pl.ds(j * BLK, BLK)
        out_ref[:, sl] = _clip01(th_ref[:, sl] - tau)


_tc_part = pl.pallas_call(
    _tc_body,
    grid=(1,),
    in_specs=[
        pl.BlockSpec((TC_ROWS, N), lambda i: (1, 0)),
        pl.BlockSpec((TC_ROWS, 1), lambda i: (1, 0)),
    ],
    out_specs=pl.BlockSpec((TC_ROWS, N), lambda i: (0, 0)),
    out_shape=jax.ShapeDtypeStruct((TC_ROWS, N), jnp.float32),
    scratch_shapes=[pltpu.VMEM((TC_ROWS, N), jnp.float32)],
)


def kernel(sent_logits, sent_lengths):
    lengths = sent_lengths.astype(jnp.int32)
    sc_out = _sc_part(sent_logits[:SC_ROWS], lengths[:SC_ROWS])
    tc_out = _tc_part(sent_logits, lengths[:, None])
    return jnp.concatenate([sc_out, tc_out], axis=0)

# --- scband reference (transcript-rebuilt; emitter-appended) ---
"""Pipeline reference for scband-spectra-squadmodel-41077067219026 (READ-ONLY COPY).

The authoritative reference and input builder live on the scoring server;
editing this copy changes nothing except your own understanding.
"""

import jax, jax.numpy as jnp
import numpy as np

BUDGET_RATIO = 0.2
TEMPERATURE = 0.1
BISECT_ITERS = 60


def setup_inputs(seed: int = 0) -> dict:
    key = jax.random.key(seed)
    k1, k2 = jax.random.split(key)
    sent_logits = jax.random.normal(k1, (64, 4096), dtype=jnp.float32)
    sent_lengths = jax.random.randint(k2, (64,), 0, 4096).astype(jnp.int64)
    return {"sent_logits": sent_logits, "sent_lengths": sent_lengths}


def _budget_project(theta, budget):
    # SparseMAP with a Budget factor == Euclidean projection of theta onto
    # {z : 0 <= z <= 1, sum(z) <= budget}.  Solve z = clip(theta - tau, 0, 1)
    # with tau >= 0 found by bisection so that sum(z) == budget when the
    # unconstrained solution violates the budget.
    def total(tau):
        return jnp.sum(jnp.clip(theta - tau[:, None], 0.0, 1.0), axis=1)

    s0 = total(jnp.zeros_like(budget))
    lo = jnp.min(theta, axis=1) - 1.0
    hi = jnp.max(theta, axis=1)
    for _ in range(BISECT_ITERS):
        mid = 0.5 * (lo + hi)
        s = total(mid)
        gt = s > budget
        lo = jnp.where(gt, mid, lo)
        hi = jnp.where(gt, hi, mid)
    tau = 0.5 * (lo + hi)
    tau = jnp.where(s0 <= budget, jnp.zeros_like(tau), tau)
    return jnp.clip(theta - tau[:, None], 0.0, 1.0)


def reference(sent_logits, sent_lengths):
    B, N = sent_logits.shape
    # sent_mask from sent_lengths (create_sent_mask)
    mask = jnp.arange(N)[None, :] < sent_lengths[:, None]
    # scores[~mask] = -1000.0, then divide by temperature (sample_z)
    scores = jnp.where(mask, sent_logits, -1000.0)
    theta = scores / TEMPERATURE
    # budget = round(budget_ratio * sent_length) per row
    budget = jnp.round(BUDGET_RATIO * sent_lengths.astype(jnp.float32))
    sent_z = _budget_project(theta, budget)
    return sent_z

if __name__ == "__main__":
    import jax
    _d = setup_inputs()
    print(jax.jit(kernel)(*tuple(_d.values())))

</pallas_src>

<mosaic_0001>
#map = affine_map<(d0, d1) -> (0, 0)>
#map1 = affine_map<(d0, d1) -> (0)>
module attributes {stable_mosaic.version = 14 : i64} {
  func.func @_sc_part(%arg0: i32, %arg1: i32, %arg2: memref<32x4096xf32, #tpu.memory_space<hbm>>, %arg3: memref<32xi32, #tpu.memory_space<hbm>>, %arg4: memref<32x4096xf32, #tpu.memory_space<hbm>>, %arg5: memref<1x4096xf32, #tpu.memory_space<vmem>>, %arg6: memref<32xi32, #tpu.memory_space<vmem>>) attributes {dimension_semantics = [#tpu.dimension_semantics<core_parallel>, #tpu.dimension_semantics<subcore_parallel>], iteration_bounds = array<i64: 2, 16>, scalar_prefetch = 0 : i64, scratch_operands = 2 : i64, tpu.core_type = #tpu.core_type<sc_vector_subcore>, window_params = [{transform_indices = #map}, {transform_indices = #map1}, {transform_indices = #map}]} {
    %mul3A = arith.constant 2 : i32
    %mul3A_0 = arith.muli %arg1, %mul3A : i32
    %add3A = arith.addi %mul3A_0, %arg0 : i32
    "tpu.region"() ({
      %run_scoped3A = tpu.sem_alloc : memref<!tpu.dma_semaphore, #tpu.memory_space<semaphore_mem>>
      %dma_start3A = arith.constant 0 : i32
      %dma_start3A_223 = tpu.memref_slice %arg2[%add3A, %dma_start3A] : memref<32x4096xf32, #tpu.memory_space<hbm>> -> memref<1x4096xf32, #tpu.memory_space<hbm>>
      %dma_start3A_224 = arith.constant 0 : i32
      %dma_start3A_225 = tpu.memref_slice %arg2[%add3A, %dma_start3A_224] : memref<32x4096xf32, #tpu.memory_space<hbm>> -> memref<1x4096xf32, #tpu.memory_space<hbm>>
      tpu.enqueue_dma source(%dma_start3A_225 : memref<1x4096xf32, #tpu.memory_space<hbm>>) target(%arg5 : memref<1x4096xf32, #tpu.memory_space<vmem>>) target_semaphore(%run_scoped3A : memref<!tpu.dma_semaphore, #tpu.memory_space<semaphore_mem>>)
      %dma_wait3A = arith.constant 0 : i32
      %dma_wait3A_226 = tpu.memref_slice %arg2[%add3A, %dma_wait3A] : memref<32x4096xf32, #tpu.memory_space<hbm>> -> memref<1x4096xf32, #tpu.memory_space<hbm>>
      %dma_wait3A_227 = arith.constant 0 : i32
      %dma_wait3A_228 = tpu.memref_slice %arg2[%add3A, %dma_wait3A_227] : memref<32x4096xf32, #tpu.memory_space<hbm>> -> memref<1x4096xf32, #tpu.memory_space<hbm>>
      tpu.wait_dma2 semaphore(%run_scoped3A : memref<!tpu.dma_semaphore, #tpu.memory_space<semaphore_mem>>) src(%dma_wait3A_228 : memref<1x4096xf32, #tpu.memory_space<hbm>>) dst(%arg5 : memref<1x4096xf32, #tpu.memory_space<vmem>>)
      tpu.yield
    }) : () -> ()
    "tpu.region"() ({
      %run_scoped3A = tpu.sem_alloc : memref<!tpu.dma_semaphore, #tpu.memory_space<semaphore_mem>>
      tpu.enqueue_dma source(%arg3 : memref<32xi32, #tpu.memory_space<hbm>>) target(%arg6 : memref<32xi32, #tpu.memory_space<vmem>>) target_semaphore(%run_scoped3A : memref<!tpu.dma_semaphore, #tpu.memory_space<semaphore_mem>>)
      tpu.wait_dma2 semaphore(%run_scoped3A : memref<!tpu.dma_semaphore, #tpu.memory_space<semaphore_mem>>) src(%arg3 : memref<32xi32, #tpu.memory_space<hbm>>) dst(%arg6 : memref<32xi32, #tpu.memory_space<vmem>>)
      tpu.yield
    }) : () -> ()
    %iota3A = tpu.iota {dimensions = array<i32: 0>} : vector<16xi32>
    %broadcast_in_dim3A = arith.constant 0.000000e+00 : f32
    %broadcast_in_dim3A_1 = vector.broadcast %broadcast_in_dim3A : f32 to vector<16xf32>
    %jit3A = arith.constant 16 : i32
    %div3A = arith.divsi %add3A, %jit3A : i32
    %sign3A = arith.constant 0 : i32
    %sign3A_2 = arith.cmpi sgt, %add3A, %sign3A : i32
    %sign3A_3 = arith.extui %sign3A_2 : i1 to i32
    %sign3A_4 = arith.constant 0 : i32
    %sign3A_5 = arith.cmpi slt, %add3A, %sign3A_4 : i32
    %sign3A_6 = arith.extui %sign3A_5 : i1 to i32
    %sign3A_7 = arith.subi %sign3A_3, %sign3A_6 : i32
    %sign3A_8 = arith.constant 0 : i32
    %sign3A_9 = arith.cmpi sgt, %jit3A, %sign3A_8 : i32
    %sign3A_10 = arith.extui %sign3A_9 : i1 to i32
    %sign3A_11 = arith.constant 0 : i32
    %sign3A_12 = arith.cmpi slt, %jit3A, %sign3A_11 : i32
    %sign3A_13 = arith.extui %sign3A_12 : i1 to i32
    %sign3A_14 = arith.subi %sign3A_10, %sign3A_13 : i32
    %ne3A = arith.cmpi ne, %sign3A_7, %sign3A_14 : i32
    %rem3A = arith.remsi %add3A, %jit3A : i32
    %ne3A_15 = arith.constant 0 : i32
    %ne3A_16 = arith.cmpi ne, %rem3A, %ne3A_15 : i32
    %and3A = arith.andi %ne3A, %ne3A_16 : i1
    %sub3A = arith.constant 1 : i32
    %sub3A_17 = arith.subi %div3A, %sub3A : i32
    %select_n3A = arith.select %and3A, %sub3A_17, %div3A : i32
    %mul3A_18 = arith.constant 16 : i32
    %mul3A_19 = arith.muli %select_n3A, %mul3A_18 : i32
    %get3A = arith.index_cast %mul3A_19 : i32 to index
    %get3A_20 = tpu.vector_load %arg6[%get3A] {strides = array<i32>} : memref<32xi32, #tpu.memory_space<vmem>>, vector<16xi32>,
    %get3A_21 = vector.shape_cast %get3A_20 : vector<16xi32> to vector<16xi32>
    %sub3A_22 = arith.subi %add3A, %mul3A_19 : i32
    %eq3A = vector.broadcast %sub3A_22 : i32 to vector<16xi32>
    %eq3A_23 = arith.cmpi eq, %iota3A, %eq3A : vector<16xi32>
    %jit3A_24 = arith.constant -1 : i32
    %broadcast_in_dim3A_25 = vector.broadcast %jit3A_24 : i32 to vector<16xi32>
    %select_n3A_26 = arith.select %eq3A_23, %get3A_21, %broadcast_in_dim3A_25 : vector<16xi1>, vector<16xi32>
    %xor3A = arith.constant 8 : i32
    %xor3A_27 = vector.broadcast %xor3A : i32 to vector<16xi32>
    %xor3A_28 = arith.xori %iota3A, %xor3A_27 : vector<16xi32>
    %lt3A = arith.constant 0 : i32
    %lt3A_29 = vector.broadcast %lt3A : i32 to vector<16xi32>
    %lt3A_30 = arith.cmpi slt, %xor3A_28, %lt3A_29 : vector<16xi32>
    %add3A_31 = arith.constant 16 : i32
    %add3A_32 = vector.broadcast %add3A_31 : i32 to vector<16xi32>
    %add3A_33 = arith.addi %xor3A_28, %add3A_32 : vector<16xi32>
    %select_n3A_34 = arith.select %lt3A_30, %add3A_33, %xor3A_28 : vector<16xi1>, vector<16xi32>
    %broadcast_in_dim3A_35 = vector.shape_cast %select_n3A_34 : vector<16xi32> to vector<16x1xi32>
    %gather3A = vector.shape_cast %broadcast_in_dim3A_35 : vector<16x1xi32> to vector<16xi32>
    %gather3A_36 = tpu.dynamic_gather %select_n3A_26[%gather3A] in [0] : vector<16xi32>, vector<16xi32> -> vector<16xi32>
    %max3A = arith.maxsi %select_n3A_26, %gather3A_36 : vector<16xi32>
    %xor3A_37 = arith.constant 4 : i32
    %xor3A_38 = vector.broadcast %xor3A_37 : i32 to vector<16xi32>
    %xor3A_39 = arith.xori %iota3A, %xor3A_38 : vector<16xi32>
    %lt3A_40 = arith.constant 0 : i32
    %lt3A_41 = vector.broadcast %lt3A_40 : i32 to vector<16xi32>
    %lt3A_42 = arith.cmpi slt, %xor3A_39, %lt3A_41 : vector<16xi32>
    %add3A_43 = arith.constant 16 : i32
    %add3A_44 = vector.broadcast %add3A_43 : i32 to vector<16xi32>
    %add3A_45 = arith.addi %xor3A_39, %add3A_44 : vector<16xi32>
    %select_n3A_46 = arith.select %lt3A_42, %add3A_45, %xor3A_39 : vector<16xi1>, vector<16xi32>
    %broadcast_in_dim3A_47 = vector.shape_cast %select_n3A_46 : vector<16xi32> to vector<16x1xi32>
    %gather3A_48 = vector.shape_cast %broadcast_in_dim3A_47 : vector<16x1xi32> to vector<16xi32>
    %gather3A_49 = tpu.dynamic_gather %max3A[%gather3A_48] in [0] : vector<16xi32>, vector<16xi32> -> vector<16xi32>
    %max3A_50 = arith.maxsi %max3A, %gather3A_49 : vector<16xi32>
    %xor3A_51 = arith.constant 2 : i32
    %xor3A_52 = vector.broadcast %xor3A_51 : i32 to vector<16xi32>
    %xor3A_53 = arith.xori %iota3A, %xor3A_52 : vector<16xi32>
    %lt3A_54 = arith.constant 0 : i32
    %lt3A_55 = vector.broadcast %lt3A_54 : i32 to vector<16xi32>
    %lt3A_56 = arith.cmpi slt, %xor3A_53, %lt3A_55 : vector<16xi32>
    %add3A_57 = arith.constant 16 : i32
    %add3A_58 = vector.broadcast %add3A_57 : i32 to vector<16xi32>
    %add3A_59 = arith.addi %xor3A_53, %add3A_58 : vector<16xi32>
    %select_n3A_60 = arith.select %lt3A_56, %add3A_59, %xor3A_53 : vector<16xi1>, vector<16xi32>
    %broadcast_in_dim3A_61 = vector.shape_cast %select_n3A_60 : vector<16xi32> to vector<16x1xi32>
    %gather3A_62 = vector.shape_cast %broadcast_in_dim3A_61 : vector<16x1xi32> to vector<16xi32>
    %gather3A_63 = tpu.dynamic_gather %max3A_50[%gather3A_62] in [0] : vector<16xi32>, vector<16xi32> -> vector<16xi32>
    %max3A_64 = arith.maxsi %max3A_50, %gather3A_63 : vector<16xi32>
    %xor3A_65 = arith.constant 1 : i32
    %xor3A_66 = vector.broadcast %xor3A_65 : i32 to vector<16xi32>
    %xor3A_67 = arith.xori %iota3A, %xor3A_66 : vector<16xi32>
    %lt3A_68 = arith.constant 0 : i32
    %lt3A_69 = vector.broadcast %lt3A_68 : i32 to vector<16xi32>
    %lt3A_70 = arith.cmpi slt, %xor3A_67, %lt3A_69 : vector<16xi32>
    %add3A_71 = arith.constant 16 : i32
    %add3A_72 = vector.broadcast %add3A_71 : i32 to vector<16xi32>
    %add3A_73 = arith.addi %xor3A_67, %add3A_72 : vector<16xi32>
    %select_n3A_74 = arith.select %lt3A_70, %add3A_73, %xor3A_67 : vector<16xi1>, vector<16xi32>
    %broadcast_in_dim3A_75 = vector.shape_cast %select_n3A_74 : vector<16xi32> to vector<16x1xi32>
    %gather3A_76 = vector.shape_cast %broadcast_in_dim3A_75 : vector<16x1xi32> to vector<16xi32>
    %gather3A_77 = tpu.dynamic_gather %max3A_64[%gather3A_76] in [0] : vector<16xi32>, vector<16xi32> -> vector<16xi32>
    %max3A_78 = arith.maxsi %max3A_64, %gather3A_77 : vector<16xi32>
    %convert_element_type3A = arith.sitofp %max3A_78 : vector<16xi32> to vector<16xf32>
    %mul3A_79 = arith.constant 2.000000e-01 : f32
    %mul3A_80 = vector.broadcast %mul3A_79 : f32 to vector<16xf32>
    %mul3A_81 = arith.mulf %mul3A_80, %convert_element_type3A : vector<16xf32>
    %add3A_82 = arith.constant 5.000000e-01 : f32
    %add3A_83 = vector.broadcast %add3A_82 : f32 to vector<16xf32>
    %add3A_84 = arith.addf %mul3A_81, %add3A_83 : vector<16xf32>
    %convert_element_type3A_85 = arith.fptosi %add3A_84 : vector<16xf32> to vector<16xi32>
    %convert_element_type3A_86 = arith.sitofp %convert_element_type3A_85 : vector<16xi32> to vector<16xf32>
    %broadcast_in_dim3A_87 = arith.constant -3.000000e+38 : f32
    %broadcast_in_dim3A_88 = vector.broadcast %broadcast_in_dim3A_87 : f32 to vector<16xf32>
    %scan3A = arith.constant 0 : i32
    %scan3A_89 = arith.constant 256 : i32
    %scan3A_90 = arith.addi %scan3A, %scan3A_89 : i32
    %scan3A_91 = arith.constant 1 : i32
    %scan3A_92:2 = scf.for %scan3A_223 = %scan3A to %scan3A_90 step %scan3A_91 iter_args(%scan3A_224 = %broadcast_in_dim3A_88, %scan3A_225 = %broadcast_in_dim3A_1) -> (vector<16xf32>, vector<16xf32>)  : i32 {
      %mul3A_226 = arith.constant 16 : i32
      %mul3A_227 = arith.muli %scan3A_223, %mul3A_226 : i32
      %mul3A_228 = arith.constant 16 : i32
      %mul3A_229 = arith.muli %scan3A_223, %mul3A_228 : i32
      %add3A_230 = vector.broadcast %mul3A_229 : i32 to vector<16xi32>
      %add3A_231 = arith.addi %add3A_230, %iota3A : vector<16xi32>
      %lt3A_232 = arith.cmpi slt, %add3A_231, %max3A_78 : vector<16xi32>
      %get3A_233 = arith.constant 0 : i32
      %get3A_234 = arith.index_cast %get3A_233 : i32 to index
      %get3A_235 = arith.index_cast %mul3A_227 : i32 to index
      %get3A_236 = tpu.vector_load %arg5[%get3A_234, %get3A_235] {strides = array<i32>} : memref<1x4096xf32, #tpu.memory_space<vmem>>, vector<1x16xf32>,
      %get3A_237 = vector.shape_cast %get3A_236 : vector<1x16xf32> to vector<16xf32>
      %mul3A_238 = arith.constant 1.000000e+01 : f32
      %mul3A_239 = vector.broadcast %mul3A_238 : f32 to vector<16xf32>
      %mul3A_240 = arith.mulf %get3A_237, %mul3A_239 : vector<16xf32>
      %jit3A_241 = arith.constant -1.000000e+04 : f32
      %broadcast_in_dim3A_242 = vector.broadcast %jit3A_241 : f32 to vector<16xf32>
      %select_n3A_243 = arith.select %lt3A_232, %mul3A_240, %broadcast_in_dim3A_242 : vector<16xi1>, vector<16xf32>
      %swap3A = arith.constant 0 : i32
      %swap3A_244 = arith.index_cast %swap3A : i32 to index
      %swap3A_245 = arith.index_cast %mul3A_227 : i32 to index
      %swap3A_246 = tpu.vector_load %arg5[%swap3A_244, %swap3A_245] {strides = array<i32>} : memref<1x4096xf32, #tpu.memory_space<vmem>>, vector<1x16xf32>,
      %swap3A_247 = vector.shape_cast %swap3A_246 : vector<1x16xf32> to vector<16xf32>
      %swap3A_248 = vector.shape_cast %select_n3A_243 : vector<16xf32> to vector<1x16xf32>
      tpu.vector_store %arg5[%swap3A_244, %swap3A_245], %swap3A_248 {strides = array<i32>} : memref<1x4096xf32, #tpu.memory_space<vmem>>, vector<1x16xf32>,
      %max3A_249 = arith.maximumf %scan3A_224, %select_n3A_243 : vector<16xf32>
      %max3A_250 = arith.constant 0.000000e+00 : f32
      %max3A_251 = vector.broadcast %max3A_250 : f32 to vector<16xf32>
      %max3A_252 = arith.maximumf %select_n3A_243, %max3A_251 : vector<16xf32>
      %min3A = arith.constant 1.000000e+00 : f32
      %min3A_253 = vector.broadcast %min3A : f32 to vector<16xf32>
      %min3A_254 = arith.minimumf %max3A_252, %min3A_253 : vector<16xf32>
      %add3A_255 = arith.addf %scan3A_225, %min3A_254 : vector<16xf32>
      scf.yield %max3A_249, %add3A_255 : vector<16xf32>, vector<16xf32>
    }
    %scan3A_93 = arith.constant 256 : i32
    %xor3A_94 = arith.constant 8 : i32
    %xor3A_95 = vector.broadcast %xor3A_94 : i32 to vector<16xi32>
    %xor3A_96 = arith.xori %iota3A, %xor3A_95 : vector<16xi32>
    %lt3A_97 = arith.constant 0 : i32
    %lt3A_98 = vector.broadcast %lt3A_97 : i32 to vector<16xi32>
    %lt3A_99 = arith.cmpi slt, %xor3A_96, %lt3A_98 : vector<16xi32>
    %add3A_100 = arith.constant 16 : i32
    %add3A_101 = vector.broadcast %add3A_100 : i32 to vector<16xi32>
    %add3A_102 = arith.addi %xor3A_96, %add3A_101 : vector<16xi32>
    %select_n3A_103 = arith.select %lt3A_99, %add3A_102, %xor3A_96 : vector<16xi1>, vector<16xi32>
    %broadcast_in_dim3A_104 = vector.shape_cast %select_n3A_103 : vector<16xi32> to vector<16x1xi32>
    %gather3A_105 = vector.shape_cast %broadcast_in_dim3A_104 : vector<16x1xi32> to vector<16xi32>
    %gather3A_106 = tpu.dynamic_gather %scan3A_92#0[%gather3A_105] in [0] : vector<16xf32>, vector<16xi32> -> vector<16xf32>
    %max3A_107 = arith.maximumf %scan3A_92#0, %gather3A_106 : vector<16xf32>
    %xor3A_108 = arith.constant 4 : i32
    %xor3A_109 = vector.broadcast %xor3A_108 : i32 to vector<16xi32>
    %xor3A_110 = arith.xori %iota3A, %xor3A_109 : vector<16xi32>
    %lt3A_111 = arith.constant 0 : i32
    %lt3A_112 = vector.broadcast %lt3A_111 : i32 to vector<16xi32>
    %lt3A_113 = arith.cmpi slt, %xor3A_110, %lt3A_112 : vector<16xi32>
    %add3A_114 = arith.constant 16 : i32
    %add3A_115 = vector.broadcast %add3A_114 : i32 to vector<16xi32>
    %add3A_116 = arith.addi %xor3A_110, %add3A_115 : vector<16xi32>
    %select_n3A_117 = arith.select %lt3A_113, %add3A_116, %xor3A_110 : vector<16xi1>, vector<16xi32>
    %broadcast_in_dim3A_118 = vector.shape_cast %select_n3A_117 : vector<16xi32> to vector<16x1xi32>
    %gather3A_119 = vector.shape_cast %broadcast_in_dim3A_118 : vector<16x1xi32> to vector<16xi32>
    %gather3A_120 = tpu.dynamic_gather %max3A_107[%gather3A_119] in [0] : vector<16xf32>, vector<16xi32> -> vector<16xf32>
    %max3A_121 = arith.maximumf %max3A_107, %gather3A_120 : vector<16xf32>
    %xor3A_122 = arith.constant 2 : i32
    %xor3A_123 = vector.broadcast %xor3A_122 : i32 to vector<16xi32>
    %xor3A_124 = arith.xori %iota3A, %xor3A_123 : vector<16xi32>
    %lt3A_125 = arith.constant 0 : i32
    %lt3A_126 = vector.broadcast %lt3A_125 : i32 to vector<16xi32>
    %lt3A_127 = arith.cmpi slt, %xor3A_124, %lt3A_126 : vector<16xi32>
    %add3A_128 = arith.constant 16 : i32
    %add3A_129 = vector.broadcast %add3A_128 : i32 to vector<16xi32>
    %add3A_130 = arith.addi %xor3A_124, %add3A_129 : vector<16xi32>
    %select_n3A_131 = arith.select %lt3A_127, %add3A_130, %xor3A_124 : vector<16xi1>, vector<16xi32>
    %broadcast_in_dim3A_132 = vector.shape_cast %select_n3A_131 : vector<16xi32> to vector<16x1xi32>
    %gather3A_133 = vector.shape_cast %broadcast_in_dim3A_132 : vector<16x1xi32> to vector<16xi32>
    %gather3A_134 = tpu.dynamic_gather %max3A_121[%gather3A_133] in [0] : vector<16xf32>, vector<16xi32> -> vector<16xf32>
    %max3A_135 = arith.maximumf %max3A_121, %gather3A_134 : vector<16xf32>
    %xor3A_136 = arith.constant 1 : i32
    %xor3A_137 = vector.broadcast %xor3A_136 : i32 to vector<16xi32>
    %xor3A_138 = arith.xori %iota3A, %xor3A_137 : vector<16xi32>
    %lt3A_139 = arith.constant 0 : i32
    %lt3A_140 = vector.broadcast %lt3A_139 : i32 to vector<16xi32>
    %lt3A_141 = arith.cmpi slt, %xor3A_138, %lt3A_140 : vector<16xi32>
    %add3A_142 = arith.constant 16 : i32
    %add3A_143 = vector.broadcast %add3A_142 : i32 to vector<16xi32>
    %add3A_144 = arith.addi %xor3A_138, %add3A_143 : vector<16xi32>
    %select_n3A_145 = arith.select %lt3A_141, %add3A_144, %xor3A_138 : vector<16xi1>, vector<16xi32>
    %broadcast_in_dim3A_146 = vector.shape_cast %select_n3A_145 : vector<16xi32> to vector<16x1xi32>
    %gather3A_147 = vector.shape_cast %broadcast_in_dim3A_146 : vector<16x1xi32> to vector<16xi32>
    %gather3A_148 = tpu.dynamic_gather %max3A_135[%gather3A_147] in [0] : vector<16xf32>, vector<16xi32> -> vector<16xf32>
    %max3A_149 = arith.maximumf %max3A_135, %gather3A_148 : vector<16xf32>
    %xor3A_150 = arith.constant 8 : i32
    %xor3A_151 = vector.broadcast %xor3A_150 : i32 to vector<16xi32>
    %xor3A_152 = arith.xori %iota3A, %xor3A_151 : vector<16xi32>
    %lt3A_153 = arith.constant 0 : i32
    %lt3A_154 = vector.broadcast %lt3A_153 : i32 to vector<16xi32>
    %lt3A_155 = arith.cmpi slt, %xor3A_152, %lt3A_154 : vector<16xi32>
    %add3A_156 = arith.constant 16 : i32
    %add3A_157 = vector.broadcast %add3A_156 : i32 to vector<16xi32>
    %add3A_158 = arith.addi %xor3A_152, %add3A_157 : vector<16xi32>
    %select_n3A_159 = arith.select %lt3A_155, %add3A_158, %xor3A_152 : vector<16xi1>, vector<16xi32>
    %broadcast_in_dim3A_160 = vector.shape_cast %select_n3A_159 : vector<16xi32> to vector<16x1xi32>
    %gather3A_161 = vector.shape_cast %broadcast_in_dim3A_160 : vector<16x1xi32> to vector<16xi32>
    %gather3A_162 = tpu.dynamic_gather %scan3A_92#1[%gather3A_161] in [0] : vector<16xf32>, vector<16xi32> -> vector<16xf32>
    %add3A_163 = arith.addf %scan3A_92#1, %gather3A_162 : vector<16xf32>
    %xor3A_164 = arith.constant 4 : i32
    %xor3A_165 = vector.broadcast %xor3A_164 : i32 to vector<16xi32>
    %xor3A_166 = arith.xori %iota3A, %xor3A_165 : vector<16xi32>
    %lt3A_167 = arith.constant 0 : i32
    %lt3A_168 = vector.broadcast %lt3A_167 : i32 to vector<16xi32>
    %lt3A_169 = arith.cmpi slt, %xor3A_166, %lt3A_168 : vector<16xi32>
    %add3A_170 = arith.constant 16 : i32
    %add3A_171 = vector.broadcast %add3A_170 : i32 to vector<16xi32>
    %add3A_172 = arith.addi %xor3A_166, %add3A_171 : vector<16xi32>
    %select_n3A_173 = arith.select %lt3A_169, %add3A_172, %xor3A_166 : vector<16xi1>, vector<16xi32>
    %broadcast_in_dim3A_174 = vector.shape_cast %select_n3A_173 : vector<16xi32> to vector<16x1xi32>
    %gather3A_175 = vector.shape_cast %broadcast_in_dim3A_174 : vector<16x1xi32> to vector<16xi32>
    %gather3A_176 = tpu.dynamic_gather %add3A_163[%gather3A_175] in [0] : vector<16xf32>, vector<16xi32> -> vector<16xf32>
    %add3A_177 = arith.addf %add3A_163, %gather3A_176 : vector<16xf32>
    %xor3A_178 = arith.constant 2 : i32
    %xor3A_179 = vector.broadcast %xor3A_178 : i32 to vector<16xi32>
    %xor3A_180 = arith.xori %iota3A, %xor3A_179 : vector<16xi32>
    %lt3A_181 = arith.constant 0 : i32
    %lt3A_182 = vector.broadcast %lt3A_181 : i32 to vector<16xi32>
    %lt3A_183 = arith.cmpi slt, %xor3A_180, %lt3A_182 : vector<16xi32>
    %add3A_184 = arith.constant 16 : i32
    %add3A_185 = vector.broadcast %add3A_184 : i32 to vector<16xi32>
    %add3A_186 = arith.addi %xor3A_180, %add3A_185 : vector<16xi32>
    %select_n3A_187 = arith.select %lt3A_183, %add3A_186, %xor3A_180 : vector<16xi1>, vector<16xi32>
    %broadcast_in_dim3A_188 = vector.shape_cast %select_n3A_187 : vector<16xi32> to vector<16x1xi32>
    %gather3A_189 = vector.shape_cast %broadcast_in_dim3A_188 : vector<16x1xi32> to vector<16xi32>
    %gather3A_190 = tpu.dynamic_gather %add3A_177[%gather3A_189] in [0] : vector<16xf32>, vector<16xi32> -> vector<16xf32>
    %add3A_191 = arith.addf %add3A_177, %gather3A_190 : vector<16xf32>
    %xor3A_192 = arith.constant 1 : i32
    %xor3A_193 = vector.broadcast %xor3A_192 : i32 to vector<16xi32>
    %xor3A_194 = arith.xori %iota3A, %xor3A_193 : vector<16xi32>
    %lt3A_195 = arith.constant 0 : i32
    %lt3A_196 = vector.broadcast %lt3A_195 : i32 to vector<16xi32>
    %lt3A_197 = arith.cmpi slt, %xor3A_194, %lt3A_196 : vector<16xi32>
    %add3A_198 = arith.constant 16 : i32
    %add3A_199 = vector.broadcast %add3A_198 : i32 to vector<16xi32>
    %add3A_200 = arith.addi %xor3A_194, %add3A_199 : vector<16xi32>
    %select_n3A_201 = arith.select %lt3A_197, %add3A_200, %xor3A_194 : vector<16xi1>, vector<16xi32>
    %broadcast_in_dim3A_202 = vector.shape_cast %select_n3A_201 : vector<16xi32> to vector<16x1xi32>
    %gather3A_203 = vector.shape_cast %broadcast_in_dim3A_202 : vector<16x1xi32> to vector<16xi32>
    %gather3A_204 = tpu.dynamic_gather %add3A_191[%gather3A_203] in [0] : vector<16xf32>, vector<16xi32> -> vector<16xf32>
    %add3A_205 = arith.addf %add3A_191, %gather3A_204 : vector<16xf32>
    %scan3A_206 = arith.constant 0 : i32
    %scan3A_207 = arith.constant 60 : i32
    %scan3A_208 = arith.addi %scan3A_206, %scan3A_207 : i32
    %scan3A_209 = arith.constant 1 : i32
    %scan3A_210:2 = scf.for %scan3A_223 = %scan3A_206 to %scan3A_208 step %scan3A_209 iter_args(%scan3A_224 = %broadcast_in_dim3A_1, %scan3A_225 = %max3A_149) -> (vector<16xf32>, vector<16xf32>)  : i32 {
      %add3A_226 = arith.addf %scan3A_224, %scan3A_225 : vector<16xf32>
      %mul3A_227 = arith.constant 5.000000e-01 : f32
      %mul3A_228 = vector.broadcast %mul3A_227 : f32 to vector<16xf32>
      %mul3A_229 = arith.mulf %mul3A_228, %add3A_226 : vector<16xf32>
      %scan3A_230 = arith.constant 0 : i32
      %scan3A_231 = arith.constant 32 : i32
      %scan3A_232 = arith.addi %scan3A_230, %scan3A_231 : i32
      %scan3A_233 = arith.constant 1 : i32
      %scan3A_234:4 = scf.for %scan3A_297 = %scan3A_230 to %scan3A_232 step %scan3A_233 iter_args(%scan3A_298 = %broadcast_in_dim3A_1, %scan3A_299 = %broadcast_in_dim3A_1, %scan3A_300 = %broadcast_in_dim3A_1, %scan3A_301 = %broadcast_in_dim3A_1) -> (vector<16xf32>, vector<16xf32>, vector<16xf32>, vector<16xf32>)  : i32 {
        %mul3A_302 = arith.constant 128 : i32
        %mul3A_303 = arith.muli %scan3A_297, %mul3A_302 : i32
        %add3A_304 = arith.constant 0 : i32
        %add3A_305 = arith.addi %mul3A_303, %add3A_304 : i32
        %get3A_306 = arith.constant 0 : i32
        %get3A_307 = arith.index_cast %get3A_306 : i32 to index
        %get3A_308 = arith.index_cast %add3A_305 : i32 to index
        %get3A_309 = tpu.vector_load %arg5[%get3A_307, %get3A_308] {strides = array<i32>} : memref<1x4096xf32, #tpu.memory_space<vmem>>, vector<1x16xf32>,
        %get3A_310 = vector.shape_cast %get3A_309 : vector<1x16xf32> to vector<16xf32>
        %sub3A_311 = arith.subf %get3A_310, %mul3A_229 : vector<16xf32>
        %max3A_312 = arith.constant 0.000000e+00 : f32
        %max3A_313 = vector.broadcast %max3A_312 : f32 to vector<16xf32>
        %max3A_314 = arith.maximumf %sub3A_311, %max3A_313 : vector<16xf32>
        %min3A = arith.constant 1.000000e+00 : f32
        %min3A_315 = vector.broadcast %min3A : f32 to vector<16xf32>
        %min3A_316 = arith.minimumf %max3A_314, %min3A_315 : vector<16xf32>
        %add3A_317 = arith.addf %scan3A_298, %min3A_316 : vector<16xf32>
        %add3A_318 = arith.constant 16 : i32
        %add3A_319 = arith.addi %mul3A_303, %add3A_318 : i32
        %get3A_320 = arith.constant 0 : i32
        %get3A_321 = arith.index_cast %get3A_320 : i32 to index
        %get3A_322 = arith.index_cast %add3A_319 : i32 to index
        %get3A_323 = tpu.vector_load %arg5[%get3A_321, %get3A_322] {strides = array<i32>} : memref<1x4096xf32, #tpu.memory_space<vmem>>, vector<1x16xf32>,
        %get3A_324 = vector.shape_cast %get3A_323 : vector<1x16xf32> to vector<16xf32>
        %sub3A_325 = arith.subf %get3A_324, %mul3A_229 : vector<16xf32>
        %max3A_326 = arith.constant 0.000000e+00 : f32
        %max3A_327 = vector.broadcast %max3A_326 : f32 to vector<16xf32>
        %max3A_328 = arith.maximumf %sub3A_325, %max3A_327 : vector<16xf32>
        %min3A_329 = arith.constant 1.000000e+00 : f32
        %min3A_330 = vector.broadcast %min3A_329 : f32 to vector<16xf32>
        %min3A_331 = arith.minimumf %max3A_328, %min3A_330 : vector<16xf32>
        %add3A_332 = arith.addf %scan3A_299, %min3A_331 : vector<16xf32>
        %add3A_333 = arith.constant 32 : i32
        %add3A_334 = arith.addi %mul3A_303, %add3A_333 : i32
        %get3A_335 = arith.constant 0 : i32
        %get3A_336 = arith.index_cast %get3A_335 : i32 to index
        %get3A_337 = arith.index_cast %add3A_334 : i32 to index
        %get3A_338 = tpu.vector_load %arg5[%get3A_336, %get3A_337] {strides = array<i32>} : memref<1x4096xf32, #tpu.memory_space<vmem>>, vector<1x16xf32>,
        %get3A_339 = vector.shape_cast %get3A_338 : vector<1x16xf32> to vector<16xf32>
        %sub3A_340 = arith.subf %get3A_339, %mul3A_229 : vector<16xf32>
        %max3A_341 = arith.constant 0.000000e+00 : f32
        %max3A_342 = vector.broadcast %max3A_341 : f32 to vector<16xf32>
        %max3A_343 = arith.maximumf %sub3A_340, %max3A_342 : vector<16xf32>
        %min3A_344 = arith.constant 1.000000e+00 : f32
        %min3A_345 = vector.broadcast %min3A_344 : f32 to vector<16xf32>
        %min3A_346 = arith.minimumf %max3A_343, %min3A_345 : vector<16xf32>
        %add3A_347 = arith.addf %scan3A_300, %min3A_346 : vector<16xf32>
        %add3A_348 = arith.constant 48 : i32
        %add3A_349 = arith.addi %mul3A_303, %add3A_348 : i32
        %get3A_350 = arith.constant 0 : i32
        %get3A_351 = arith.index_cast %get3A_350 : i32 to index
        %get3A_352 = arith.index_cast %add3A_349 : i32 to index
        %get3A_353 = tpu.vector_load %arg5[%get3A_351, %get3A_352] {strides = array<i32>} : memref<1x4096xf32, #tpu.memory_space<vmem>>, vector<1x16xf32>,
        %get3A_354 = vector.shape_cast %get3A_353 : vector<1x16xf32> to vector<16xf32>
        %sub3A_355 = arith.subf %get3A_354, %mul3A_229 : vector<16xf32>
        %max3A_356 = arith.constant 0.000000e+00 : f32
        %max3A_357 = vector.broadcast %max3A_356 : f32 to vector<16xf32>
        %max3A_358 = arith.maximumf %sub3A_355, %max3A_357 : vector<16xf32>
        %min3A_359 = arith.constant 1.000000e+00 : f32
        %min3A_360 = vector.broadcast %min3A_359 : f32 to vector<16xf32>
        %min3A_361 = arith.minimumf %max3A_358, %min3A_360 : vector<16xf32>
        %add3A_362 = arith.addf %scan3A_301, %min3A_361 : vector<16xf32>
        %add3A_363 = arith.constant 64 : i32
        %add3A_364 = arith.addi %mul3A_303, %add3A_363 : i32
        %get3A_365 = arith.constant 0 : i32
        %get3A_366 = arith.index_cast %get3A_365 : i32 to index
        %get3A_367 = arith.index_cast %add3A_364 : i32 to index
        %get3A_368 = tpu.vector_load %arg5[%get3A_366, %get3A_367] {strides = array<i32>} : memref<1x4096xf32, #tpu.memory_space<vmem>>, vector<1x16xf32>,
        %get3A_369 = vector.shape_cast %get3A_368 : vector<1x16xf32> to vector<16xf32>
        %sub3A_370 = arith.subf %get3A_369, %mul3A_229 : vector<16xf32>
        %max3A_371 = arith.constant 0.000000e+00 : f32
        %max3A_372 = vector.broadcast %max3A_371 : f32 to vector<16xf32>
        %max3A_373 = arith.maximumf %sub3A_370, %max3A_372 : vector<16xf32>
        %min3A_374 = arith.constant 1.000000e+00 : f32
        %min3A_375 = vector.broadcast %min3A_374 : f32 to vector<16xf32>
        %min3A_376 = arith.minimumf %max3A_373, %min3A_375 : vector<16xf32>
        %add3A_377 = arith.addf %add3A_317, %min3A_376 : vector<16xf32>
        %add3A_378 = arith.constant 80 : i32
        %add3A_379 = arith.addi %mul3A_303, %add3A_378 : i32
        %get3A_380 = arith.constant 0 : i32
        %get3A_381 = arith.index_cast %get3A_380 : i32 to index
        %get3A_382 = arith.index_cast %add3A_379 : i32 to index
        %get3A_383 = tpu.vector_load %arg5[%get3A_381, %get3A_382] {strides = array<i32>} : memref<1x4096xf32, #tpu.memory_space<vmem>>, vector<1x16xf32>,
        %get3A_384 = vector.shape_cast %get3A_383 : vector<1x16xf32> to vector<16xf32>
        %sub3A_385 = arith.subf %get3A_384, %mul3A_229 : vector<16xf32>
        %max3A_386 = arith.constant 0.000000e+00 : f32
        %max3A_387 = vector.broadcast %max3A_386 : f32 to vector<16xf32>
        %max3A_388 = arith.maximumf %sub3A_385, %max3A_387 : vector<16xf32>
        %min3A_389 = arith.constant 1.000000e+00 : f32
        %min3A_390 = vector.broadcast %min3A_389 : f32 to vector<16xf32>
        %min3A_391 = arith.minimumf %max3A_388, %min3A_390 : vector<16xf32>
        %add3A_392 = arith.addf %add3A_332, %min3A_391 : vector<16xf32>
        %add3A_393 = arith.constant 96 : i32
        %add3A_394 = arith.addi %mul3A_303, %add3A_393 : i32
        %get3A_395 = arith.constant 0 : i32
        %get3A_396 = arith.index_cast %get3A_395 : i32 to index
        %get3A_397 = arith.index_cast %add3A_394 : i32 to index
        %get3A_398 = tpu.vector_load %arg5[%get3A_396, %get3A_397] {strides = array<i32>} : memref<1x4096xf32, #tpu.memory_space<vmem>>, vector<1x16xf32>,
        %get3A_399 = vector.shape_cast %get3A_398 : vector<1x16xf32> to vector<16xf32>
        %sub3A_400 = arith.subf %get3A_399, %mul3A_229 : vector<16xf32>
        %max3A_401 = arith.constant 0.000000e+00 : f32
        %max3A_402 = vector.broadcast %max3A_401 : f32 to vector<16xf32>
        %max3A_403 = arith.maximumf %sub3A_400, %max3A_402 : vector<16xf32>
        %min3A_404 = arith.constant 1.000000e+00 : f32
        %min3A_405 = vector.broadcast %min3A_404 : f32 to vector<16xf32>
        %min3A_406 = arith.minimumf %max3A_403, %min3A_405 : vector<16xf32>
        %add3A_407 = arith.addf %add3A_347, %min3A_406 : vector<16xf32>
        %add3A_408 = arith.constant 112 : i32
        %add3A_409 = arith.addi %mul3A_303, %add3A_408 : i32
        %get3A_410 = arith.constant 0 : i32
        %get3A_411 = arith.index_cast %get3A_410 : i32 to index
        %get3A_412 = arith.index_cast %add3A_409 : i32 to index
        %get3A_413 = tpu.vector_load %arg5[%get3A_411, %get3A_412] {strides = array<i32>} : memref<1x4096xf32, #tpu.memory_space<vmem>>, vector<1x16xf32>,
        %get3A_414 = vector.shape_cast %get3A_413 : vector<1x16xf32> to vector<16xf32>
        %sub3A_415 = arith.subf %get3A_414, %mul3A_229 : vector<16xf32>
        %max3A_416 = arith.constant 0.000000e+00 : f32
        %max3A_417 = vector.broadcast %max3A_416 : f32 to vector<16xf32>
        %max3A_418 = arith.maximumf %sub3A_415, %max3A_417 : vector<16xf32>
        %min3A_419 = arith.constant 1.000000e+00 : f32
        %min3A_420 = vector.broadcast %min3A_419 : f32 to vector<16xf32>
        %min3A_421 = arith.minimumf %max3A_418, %min3A_420 : vector<16xf32>
        %add3A_422 = arith.addf %add3A_362, %min3A_421 : vector<16xf32>
        scf.yield %add3A_377, %add3A_392, %add3A_407, %add3A_422 : vector<16xf32>, vector<16xf32>, vector<16xf32>, vector<16xf32>
      }
      %scan3A_235 = arith.constant 32 : i32
      %add3A_236 = arith.addf %scan3A_234#0, %scan3A_234#1 : vector<16xf32>
      %add3A_237 = arith.addf %scan3A_234#2, %scan3A_234#3 : vector<16xf32>
      %add3A_238 = arith.addf %add3A_236, %add3A_237 : vector<16xf32>
      %xor3A_239 = arith.constant 8 : i32
      %xor3A_240 = vector.broadcast %xor3A_239 : i32 to vector<16xi32>
      %xor3A_241 = arith.xori %iota3A, %xor3A_240 : vector<16xi32>
      %lt3A_242 = arith.constant 0 : i32
      %lt3A_243 = vector.broadcast %lt3A_242 : i32 to vector<16xi32>
      %lt3A_244 = arith.cmpi slt, %xor3A_241, %lt3A_243 : vector<16xi32>
      %add3A_245 = arith.constant 16 : i32
      %add3A_246 = vector.broadcast %add3A_245 : i32 to vector<16xi32>
      %add3A_247 = arith.addi %xor3A_241, %add3A_246 : vector<16xi32>
      %select_n3A_248 = arith.select %lt3A_244, %add3A_247, %xor3A_241 : vector<16xi1>, vector<16xi32>
      %broadcast_in_dim3A_249 = vector.shape_cast %select_n3A_248 : vector<16xi32> to vector<16x1xi32>
      %gather3A_250 = vector.shape_cast %broadcast_in_dim3A_249 : vector<16x1xi32> to vector<16xi32>
      %gather3A_251 = tpu.dynamic_gather %add3A_238[%gather3A_250] in [0] : vector<16xf32>, vector<16xi32> -> vector<16xf32>
      %add3A_252 = arith.addf %add3A_238, %gather3A_251 : vector<16xf32>
      %xor3A_253 = arith.constant 4 : i32
      %xor3A_254 = vector.broadcast %xor3A_253 : i32 to vector<16xi32>
      %xor3A_255 = arith.xori %iota3A, %xor3A_254 : vector<16xi32>
      %lt3A_256 = arith.constant 0 : i32
      %lt3A_257 = vector.broadcast %lt3A_256 : i32 to vector<16xi32>
      %lt3A_258 = arith.cmpi slt, %xor3A_255, %lt3A_257 : vector<16xi32>
      %add3A_259 = arith.constant 16 : i32
      %add3A_260 = vector.broadcast %add3A_259 : i32 to vector<16xi32>
      %add3A_261 = arith.addi %xor3A_255, %add3A_260 : vector<16xi32>
      %select_n3A_262 = arith.select %lt3A_258, %add3A_261, %xor3A_255 : vector<16xi1>, vector<16xi32>
      %broadcast_in_dim3A_263 = vector.shape_cast %select_n3A_262 : vector<16xi32> to vector<16x1xi32>
      %gather3A_264 = vector.shape_cast %broadcast_in_dim3A_263 : vector<16x1xi32> to vector<16xi32>
      %gather3A_265 = tpu.dynamic_gather %add3A_252[%gather3A_264] in [0] : vector<16xf32>, vector<16xi32> -> vector<16xf32>
      %add3A_266 = arith.addf %add3A_252, %gather3A_265 : vector<16xf32>
      %xor3A_267 = arith.constant 2 : i32
      %xor3A_268 = vector.broadcast %xor3A_267 : i32 to vector<16xi32>
      %xor3A_269 = arith.xori %iota3A, %xor3A_268 : vector<16xi32>
      %lt3A_270 = arith.constant 0 : i32
      %lt3A_271 = vector.broadcast %lt3A_270 : i32 to vector<16xi32>
      %lt3A_272 = arith.cmpi slt, %xor3A_269, %lt3A_271 : vector<16xi32>
      %add3A_273 = arith.constant 16 : i32
      %add3A_274 = vector.broadcast %add3A_273 : i32 to vector<16xi32>
      %add3A_275 = arith.addi %xor3A_269, %add3A_274 : vector<16xi32>
      %select_n3A_276 = arith.select %lt3A_272, %add3A_275, %xor3A_269 : vector<16xi1>, vector<16xi32>
      %broadcast_in_dim3A_277 = vector.shape_cast %select_n3A_276 : vector<16xi32> to vector<16x1xi32>
      %gather3A_278 = vector.shape_cast %broadcast_in_dim3A_277 : vector<16x1xi32> to vector<16xi32>
      %gather3A_279 = tpu.dynamic_gather %add3A_266[%gather3A_278] in [0] : vector<16xf32>, vector<16xi32> -> vector<16xf32>
      %add3A_280 = arith.addf %add3A_266, %gather3A_279 : vector<16xf32>
      %xor3A_281 = arith.constant 1 : i32
      %xor3A_282 = vector.broadcast %xor3A_281 : i32 to vector<16xi32>
      %xor3A_283 = arith.xori %iota3A, %xor3A_282 : vector<16xi32>
      %lt3A_284 = arith.constant 0 : i32
      %lt3A_285 = vector.broadcast %lt3A_284 : i32 to vector<16xi32>
      %lt3A_286 = arith.cmpi slt, %xor3A_283, %lt3A_285 : vector<16xi32>
      %add3A_287 = arith.constant 16 : i32
      %add3A_288 = vector.broadcast %add3A_287 : i32 to vector<16xi32>
      %add3A_289 = arith.addi %xor3A_283, %add3A_288 : vector<16xi32>
      %select_n3A_290 = arith.select %lt3A_286, %add3A_289, %xor3A_283 : vector<16xi1>, vector<16xi32>
      %broadcast_in_dim3A_291 = vector.shape_cast %select_n3A_290 : vector<16xi32> to vector<16x1xi32>
      %gather3A_292 = vector.shape_cast %broadcast_in_dim3A_291 : vector<16x1xi32> to vector<16xi32>
      %gather3A_293 = tpu.dynamic_gather %add3A_280[%gather3A_292] in [0] : vector<16xf32>, vector<16xi32> -> vector<16xf32>
      %add3A_294 = arith.addf %add3A_280, %gather3A_293 : vector<16xf32>
      %gt3A = arith.cmpf ogt, %add3A_294, %convert_element_type3A_86 : vector<16xf32>
      %select_n3A_295 = arith.select %gt3A, %mul3A_229, %scan3A_224 : vector<16xi1>, vector<16xf32>
      %select_n3A_296 = arith.select %gt3A, %scan3A_225, %mul3A_229 : vector<16xi1>, vector<16xf32>
      scf.yield %select_n3A_295, %select_n3A_296 : vector<16xf32>, vector<16xf32>
    }
    %scan3A_211 = arith.constant 60 : i32
    %le3A = arith.cmpf ole, %add3A_205, %convert_element_type3A_86 : vector<16xf32>
    %add3A_212 = arith.addf %scan3A_210#0, %scan3A_210#1 : vector<16xf32>
    %mul3A_213 = arith.constant 5.000000e-01 : f32
    %mul3A_214 = vector.broadcast %mul3A_213 : f32 to vector<16xf32>
    %mul3A_215 = arith.mulf %mul3A_214, %add3A_212 : vector<16xf32>
    %select_n3A_216 = arith.select %le3A, %broadcast_in_dim3A_1, %mul3A_215 : vector<16xi1>, vector<16xf32>
    %scan3A_217 = arith.constant 0 : i32
    %scan3A_218 = arith.constant 0 : i32
    %scan3A_219 = arith.constant 64 : i32
    %scan3A_220 = arith.addi %scan3A_218, %scan3A_219 : i32
    %scan3A_221 = arith.constant 1 : i32
    scf.for %scan3A_223 = %scan3A_218 to %scan3A_220 step %scan3A_221  : i32 {
      %mul3A_224 = arith.constant 64 : i32
      %mul3A_225 = arith.muli %scan3A_223, %mul3A_224 : i32
      %add3A_226 = arith.constant 0 : i32
      %add3A_227 = arith.addi %mul3A_225, %add3A_226 : i32
      %get3A_228 = arith.constant 0 : i32
      %get3A_229 = arith.index_cast %get3A_228 : i32 to index
      %get3A_230 = arith.index_cast %add3A_227 : i32 to index
      %get3A_231 = tpu.vector_load %arg5[%get3A_229, %get3A_230] {strides = array<i32>} : memref<1x4096xf32, #tpu.memory_space<vmem>>, vector<1x16xf32>,
      %get3A_232 = vector.shape_cast %get3A_231 : vector<1x16xf32> to vector<16xf32>
      %sub3A_233 = arith.subf %get3A_232, %select_n3A_216 : vector<16xf32>
      %max3A_234 = arith.constant 0.000000e+00 : f32
      %max3A_235 = vector.broadcast %max3A_234 : f32 to vector<16xf32>
      %max3A_236 = arith.maximumf %sub3A_233, %max3A_235 : vector<16xf32>
      %min3A = arith.constant 1.000000e+00 : f32
      %min3A_237 = vector.broadcast %min3A : f32 to vector<16xf32>
      %min3A_238 = arith.minimumf %max3A_236, %min3A_237 : vector<16xf32>
      %swap3A = arith.constant 0 : i32
      %swap3A_239 = arith.index_cast %swap3A : i32 to index
      %swap3A_240 = arith.index_cast %add3A_227 : i32 to index
      %swap3A_241 = tpu.vector_load %arg5[%swap3A_239, %swap3A_240] {strides = array<i32>} : memref<1x4096xf32, #tpu.memory_space<vmem>>, vector<1x16xf32>,
      %swap3A_242 = vector.shape_cast %swap3A_241 : vector<1x16xf32> to vector<16xf32>
      %swap3A_243 = vector.shape_cast %min3A_238 : vector<16xf32> to vector<1x16xf32>
      tpu.vector_store %arg5[%swap3A_239, %swap3A_240], %swap3A_243 {strides = array<i32>} : memref<1x4096xf32, #tpu.memory_space<vmem>>, vector<1x16xf32>,
      %add3A_244 = arith.constant 16 : i32
      %add3A_245 = arith.addi %mul3A_225, %add3A_244 : i32
      %get3A_246 = arith.constant 0 : i32
      %get3A_247 = arith.index_cast %get3A_246 : i32 to index
      %get3A_248 = arith.index_cast %add3A_245 : i32 to index
      %get3A_249 = tpu.vector_load %arg5[%get3A_247, %get3A_248] {strides = array<i32>} : memref<1x4096xf32, #tpu.memory_space<vmem>>, vector<1x16xf32>,
      %get3A_250 = vector.shape_cast %get3A_249 : vector<1x16xf32> to vector<16xf32>
      %sub3A_251 = arith.subf %get3A_250, %select_n3A_216 : vector<16xf32>
      %max3A_252 = arith.constant 0.000000e+00 : f32
      %max3A_253 = vector.broadcast %max3A_252 : f32 to vector<16xf32>
      %max3A_254 = arith.maximumf %sub3A_251, %max3A_253 : vector<16xf32>
      %min3A_255 = arith.constant 1.000000e+00 : f32
      %min3A_256 = vector.broadcast %min3A_255 : f32 to vector<16xf32>
      %min3A_257 = arith.minimumf %max3A_254, %min3A_256 : vector<16xf32>
      %swap3A_258 = arith.constant 0 : i32
      %swap3A_259 = arith.index_cast %swap3A_258 : i32 to index
      %swap3A_260 = arith.index_cast %add3A_245 : i32 to index
      %swap3A_261 = tpu.vector_load %arg5[%swap3A_259, %swap3A_260] {strides = array<i32>} : memref<1x4096xf32, #tpu.memory_space<vmem>>, vector<1x16xf32>,
      %swap3A_262 = vector.shape_cast %swap3A_261 : vector<1x16xf32> to vector<16xf32>
      %swap3A_263 = vector.shape_cast %min3A_257 : vector<16xf32> to vector<1x16xf32>
      tpu.vector_store %arg5[%swap3A_259, %swap3A_260], %swap3A_263 {strides = array<i32>} : memref<1x4096xf32, #tpu.memory_space<vmem>>, vector<1x16xf32>,
      %add3A_264 = arith.constant 32 : i32
      %add3A_265 = arith.addi %mul3A_225, %add3A_264 : i32
      %get3A_266 = arith.constant 0 : i32
      %get3A_267 = arith.index_cast %get3A_266 : i32 to index
      %get3A_268 = arith.index_cast %add3A_265 : i32 to index
      %get3A_269 = tpu.vector_load %arg5[%get3A_267, %get3A_268] {strides = array<i32>} : memref<1x4096xf32, #tpu.memory_space<vmem>>, vector<1x16xf32>,
      %get3A_270 = vector.shape_cast %get3A_269 : vector<1x16xf32> to vector<16xf32>
      %sub3A_271 = arith.subf %get3A_270, %select_n3A_216 : vector<16xf32>
      %max3A_272 = arith.constant 0.000000e+00 : f32
      %max3A_273 = vector.broadcast %max3A_272 : f32 to vector<16xf32>
      %max3A_274 = arith.maximumf %sub3A_271, %max3A_273 : vector<16xf32>
      %min3A_275 = arith.constant 1.000000e+00 : f32
      %min3A_276 = vector.broadcast %min3A_275 : f32 to vector<16xf32>
      %min3A_277 = arith.minimumf %max3A_274, %min3A_276 : vector<16xf32>
      %swap3A_278 = arith.constant 0 : i32
      %swap3A_279 = arith.index_cast %swap3A_278 : i32 to index
      %swap3A_280 = arith.index_cast %add3A_265 : i32 to index
      %swap3A_281 = tpu.vector_load %arg5[%swap3A_279, %swap3A_280] {strides = array<i32>} : memref<1x4096xf32, #tpu.memory_space<vmem>>, vector<1x16xf32>,
      %swap3A_282 = vector.shape_cast %swap3A_281 : vector<1x16xf32> to vector<16xf32>
      %swap3A_283 = vector.shape_cast %min3A_277 : vector<16xf32> to vector<1x16xf32>
      tpu.vector_store %arg5[%swap3A_279, %swap3A_280], %swap3A_283 {strides = array<i32>} : memref<1x4096xf32, #tpu.memory_space<vmem>>, vector<1x16xf32>,
      %add3A_284 = arith.constant 48 : i32
      %add3A_285 = arith.addi %mul3A_225, %add3A_284 : i32
      %get3A_286 = arith.constant 0 : i32
      %get3A_287 = arith.index_cast %get3A_286 : i32 to index
      %get3A_288 = arith.index_cast %add3A_285 : i32 to index
      %get3A_289 = tpu.vector_load %arg5[%get3A_287, %get3A_288] {strides = array<i32>} : memref<1x4096xf32, #tpu.memory_space<vmem>>, vector<1x16xf32>,
      %get3A_290 = vector.shape_cast %get3A_289 : vector<1x16xf32> to vector<16xf32>
      %sub3A_291 = arith.subf %get3A_290, %select_n3A_216 : vector<16xf32>
      %max3A_292 = arith.constant 0.000000e+00 : f32
      %max3A_293 = vector.broadcast %max3A_292 : f32 to vector<16xf32>
      %max3A_294 = arith.maximumf %sub3A_291, %max3A_293 : vector<16xf32>
      %min3A_295 = arith.constant 1.000000e+00 : f32
      %min3A_296 = vector.broadcast %min3A_295 : f32 to vector<16xf32>
      %min3A_297 = arith.minimumf %max3A_294, %min3A_296 : vector<16xf32>
      %swap3A_298 = arith.constant 0 : i32
      %swap3A_299 = arith.index_cast %swap3A_298 : i32 to index
      %swap3A_300 = arith.index_cast %add3A_285 : i32 to index
      %swap3A_301 = tpu.vector_load %arg5[%swap3A_299, %swap3A_300] {strides = array<i32>} : memref<1x4096xf32, #tpu.memory_space<vmem>>, vector<1x16xf32>,
      %swap3A_302 = vector.shape_cast %swap3A_301 : vector<1x16xf32> to vector<16xf32>
      %swap3A_303 = vector.shape_cast %min3A_297 : vector<16xf32> to vector<1x16xf32>
      tpu.vector_store %arg5[%swap3A_299, %swap3A_300], %swap3A_303 {strides = array<i32>} : memref<1x4096xf32, #tpu.memory_space<vmem>>, vector<1x16xf32>,
    }
    %scan3A_222 = arith.constant 64 : i32
    "tpu.region"() ({
      %run_scoped3A = tpu.sem_alloc : memref<!tpu.dma_semaphore, #tpu.memory_space<semaphore_mem>>
      %dma_start3A = arith.constant 0 : i32
      %dma_start3A_223 = tpu.memref_slice %arg4[%add3A, %dma_start3A] : memref<32x4096xf32, #tpu.memory_space<hbm>> -> memref<1x4096xf32, #tpu.memory_space<hbm>>
      %dma_start3A_224 = arith.constant 0 : i32
      %dma_start3A_225 = tpu.memref_slice %arg4[%add3A, %dma_start3A_224] : memref<32x4096xf32, #tpu.memory_space<hbm>> -> memref<1x4096xf32, #tpu.memory_space<hbm>>
      tpu.enqueue_dma source(%arg5 : memref<1x4096xf32, #tpu.memory_space<vmem>>) target(%dma_start3A_225 : memref<1x4096xf32, #tpu.memory_space<hbm>>) target_semaphore(%run_scoped3A : memref<!tpu.dma_semaphore, #tpu.memory_space<semaphore_mem>>)
      %dma_wait3A = arith.constant 0 : i32
      %dma_wait3A_226 = tpu.memref_slice %arg4[%add3A, %dma_wait3A] : memref<32x4096xf32, #tpu.memory_space<hbm>> -> memref<1x4096xf32, #tpu.memory_space<hbm>>
      %dma_wait3A_227 = arith.constant 0 : i32
      %dma_wait3A_228 = tpu.memref_slice %arg4[%add3A, %dma_wait3A_227] : memref<32x4096xf32, #tpu.memory_space<hbm>> -> memref<1x4096xf32, #tpu.memory_space<hbm>>
      tpu.wait_dma2 semaphore(%run_scoped3A : memref<!tpu.dma_semaphore, #tpu.memory_space<semaphore_mem>>) src(%arg5 : memref<1x4096xf32, #tpu.memory_space<vmem>>) dst(%dma_wait3A_228 : memref<1x4096xf32, #tpu.memory_space<hbm>>)
      tpu.yield
    }) : () -> ()
    return
  }
}

module attributes {stable_mosaic.version = 14 : i64} {
  func.func @_tc_body(%arg0: i32, %arg1: memref<32x4096xf32, #tpu.memory_space<vmem>>, %arg2: memref<32x1xi32, #tpu.memory_space<vmem>>, %arg3: memref<32x4096xf32, #tpu.memory_space<vmem>>, %arg4: memref<32x4096xf32, #tpu.memory_space<vmem>>) attributes {dimension_semantics = [#tpu.dimension_semantics<arbitrary>], iteration_bounds = array<i64: 1>, scalar_prefetch = 0 : i64, scratch_operands = 1 : i64, tpu.core_type = #tpu.core_type<tc>, window_params = [{transform_indices = @transform_0, window_bounds = array<i64: 32, 4096>}, {transform_indices = @transform_1, window_bounds = array<i64: 32, 1>}, {pipeline_mode = #tpu.pipeline_mode<synchronous>, transform_indices = @transform_2, window_bounds = array<i64: 32, 4096>}]} {
    %get3A = arith.constant 0 : index
    %get3A_0 = arith.constant 0 : index
    %get3A_1 = vector.load %arg2[%get3A, %get3A_0] : memref<32x1xi32, #tpu.memory_space<vmem>>, vector<32x1xi32>
    %convert_element_type3A = arith.sitofp %get3A_1 : vector<32x1xi32> to vector<32x1xf32>
    %mul3A = arith.constant 2.000000e-01 : f32
    %mul3A_2 = vector.broadcast %mul3A : f32 to vector<32x1xf32>
    %mul3A_3 = arith.mulf %mul3A_2, %convert_element_type3A : vector<32x1xf32>
    %add3A = arith.constant 5.000000e-01 : f32
    %add3A_4 = vector.broadcast %add3A : f32 to vector<32x1xf32>
    %add3A_5 = arith.addf %mul3A_3, %add3A_4 : vector<32x1xf32>
    %convert_element_type3A_6 = arith.fptosi %add3A_5 : vector<32x1xf32> to vector<32x1xi32>
    %convert_element_type3A_7 = arith.sitofp %convert_element_type3A_6 : vector<32x1xi32> to vector<32x1xf32>
    %broadcast_in_dim3A = arith.constant -3.000000e+38 : f32
    %broadcast_in_dim3A_8 = vector.broadcast %broadcast_in_dim3A : f32 to vector<32x512xf32>
    %broadcast_in_dim3A_9 = arith.constant 0.000000e+00 : f32
    %broadcast_in_dim3A_10 = vector.broadcast %broadcast_in_dim3A_9 : f32 to vector<32x512xf32>
    %iota3A = tpu.iota {dimensions = array<i32: 1>} : vector<32x512xi32>
    %add3A_11 = arith.constant 0 : i32
    %add3A_12 = vector.broadcast %add3A_11 : i32 to vector<32x512xi32>
    %add3A_13 = arith.addi %iota3A, %add3A_12 : vector<32x512xi32>
    %lt3A = vector.broadcast %get3A_1 : vector<32x1xi32> to vector<32x512xi32>
    %lt3A_14 = arith.cmpi slt, %add3A_13, %lt3A : vector<32x512xi32>
    %get3A_15 = arith.constant 0 : index
    %get3A_16 = arith.constant 0 : index
    %get3A_17 = vector.load %arg1[%get3A_15, %get3A_16] : memref<32x4096xf32, #tpu.memory_space<vmem>>, vector<32x512xf32>
    %mul3A_18 = arith.constant 1.000000e+01 : f32
    %mul3A_19 = vector.broadcast %mul3A_18 : f32 to vector<32x512xf32>
    %mul3A_20 = arith.mulf %get3A_17, %mul3A_19 : vector<32x512xf32>
    %jit3A = arith.constant -1.000000e+04 : f32
    %broadcast_in_dim3A_21 = vector.broadcast %jit3A : f32 to vector<32x512xf32>
    %select_n3A = arith.select %lt3A_14, %mul3A_20, %broadcast_in_dim3A_21 : vector<32x512xi1>, vector<32x512xf32>
    %swap3A = arith.constant 0 : index
    %swap3A_22 = arith.constant 0 : index
    %swap3A_23 = vector.load %arg4[%swap3A, %swap3A_22] : memref<32x4096xf32, #tpu.memory_space<vmem>>, vector<32x512xf32>
    tpu.vector_store %arg4[%swap3A, %swap3A_22], %select_n3A {strides = array<i32>} : memref<32x4096xf32, #tpu.memory_space<vmem>>, vector<32x512xf32>,
    %max3A = arith.maximumf %broadcast_in_dim3A_8, %select_n3A : vector<32x512xf32>
    %max3A_24 = arith.constant 0.000000e+00 : f32
    %max3A_25 = vector.broadcast %max3A_24 : f32 to vector<32x512xf32>
    %max3A_26 = arith.maximumf %select_n3A, %max3A_25 : vector<32x512xf32>
    %min3A = arith.constant 1.000000e+00 : f32
    %min3A_27 = vector.broadcast %min3A : f32 to vector<32x512xf32>
    %min3A_28 = arith.minimumf %max3A_26, %min3A_27 : vector<32x512xf32>
    %add3A_29 = arith.addf %broadcast_in_dim3A_10, %min3A_28 : vector<32x512xf32>
    %add3A_30 = arith.constant 512 : i32
    %add3A_31 = vector.broadcast %add3A_30 : i32 to vector<32x512xi32>
    %add3A_32 = arith.addi %iota3A, %add3A_31 : vector<32x512xi32>
    %lt3A_33 = vector.broadcast %get3A_1 : vector<32x1xi32> to vector<32x512xi32>
    %lt3A_34 = arith.cmpi slt, %add3A_32, %lt3A_33 : vector<32x512xi32>
    %get3A_35 = arith.constant 0 : index
    %get3A_36 = arith.constant 512 : index
    %get3A_37 = vector.load %arg1[%get3A_35, %get3A_36] : memref<32x4096xf32, #tpu.memory_space<vmem>>, vector<32x512xf32>
    %mul3A_38 = arith.constant 1.000000e+01 : f32
    %mul3A_39 = vector.broadcast %mul3A_38 : f32 to vector<32x512xf32>
    %mul3A_40 = arith.mulf %get3A_37, %mul3A_39 : vector<32x512xf32>
    %jit3A_41 = arith.constant -1.000000e+04 : f32
    %broadcast_in_dim3A_42 = vector.broadcast %jit3A_41 : f32 to vector<32x512xf32>
    %select_n3A_43 = arith.select %lt3A_34, %mul3A_40, %broadcast_in_dim3A_42 : vector<32x512xi1>, vector<32x512xf32>
    %swap3A_44 = arith.constant 0 : index
    %swap3A_45 = arith.constant 512 : index
    %swap3A_46 = vector.load %arg4[%swap3A_44, %swap3A_45] : memref<32x4096xf32, #tpu.memory_space<vmem>>, vector<32x512xf32>
    tpu.vector_store %arg4[%swap3A_44, %swap3A_45], %select_n3A_43 {strides = array<i32>} : memref<32x4096xf32, #tpu.memory_space<vmem>>, vector<32x512xf32>,
    %max3A_47 = arith.maximumf %max3A, %select_n3A_43 : vector<32x512xf32>
    %max3A_48 = arith.constant 0.000000e+00 : f32
    %max3A_49 = vector.broadcast %max3A_48 : f32 to vector<32x512xf32>
    %max3A_50 = arith.maximumf %select_n3A_43, %max3A_49 : vector<32x512xf32>
    %min3A_51 = arith.constant 1.000000e+00 : f32
    %min3A_52 = vector.broadcast %min3A_51 : f32 to vector<32x512xf32>
    %min3A_53 = arith.minimumf %max3A_50, %min3A_52 : vector<32x512xf32>
    %add3A_54 = arith.addf %add3A_29, %min3A_53 : vector<32x512xf32>
    %add3A_55 = arith.constant 1024 : i32
    %add3A_56 = vector.broadcast %add3A_55 : i32 to vector<32x512xi32>
    %add3A_57 = arith.addi %iota3A, %add3A_56 : vector<32x512xi32>
    %lt3A_58 = vector.broadcast %get3A_1 : vector<32x1xi32> to vector<32x512xi32>
    %lt3A_59 = arith.cmpi slt, %add3A_57, %lt3A_58 : vector<32x512xi32>
    %get3A_60 = arith.constant 0 : index
    %get3A_61 = arith.constant 1024 : index
    %get3A_62 = vector.load %arg1[%get3A_60, %get3A_61] : memref<32x4096xf32, #tpu.memory_space<vmem>>, vector<32x512xf32>
    %mul3A_63 = arith.constant 1.000000e+01 : f32
    %mul3A_64 = vector.broadcast %mul3A_63 : f32 to vector<32x512xf32>
    %mul3A_65 = arith.mulf %get3A_62, %mul3A_64 : vector<32x512xf32>
    %jit3A_66 = arith.constant -1.000000e+04 : f32
    %broadcast_in_dim3A_67 = vector.broadcast %jit3A_66 : f32 to vector<32x512xf32>
    %select_n3A_68 = arith.select %lt3A_59, %mul3A_65, %broadcast_in_dim3A_67 : vector<32x512xi1>, vector<32x512xf32>
    %swap3A_69 = arith.constant 0 : index
    %swap3A_70 = arith.constant 1024 : index
    %swap3A_71 = vector.load %arg4[%swap3A_69, %swap3A_70] : memref<32x4096xf32, #tpu.memory_space<vmem>>, vector<32x512xf32>
    tpu.vector_store %arg4[%swap3A_69, %swap3A_70], %select_n3A_68 {strides = array<i32>} : memref<32x4096xf32, #tpu.memory_space<vmem>>, vector<32x512xf32>,
    %max3A_72 = arith.maximumf %max3A_47, %select_n3A_68 : vector<32x512xf32>
    %max3A_73 = arith.constant 0.000000e+00 : f32
    %max3A_74 = vector.broadcast %max3A_73 : f32 to vector<32x512xf32>
    %max3A_75 = arith.maximumf %select_n3A_68, %max3A_74 : vector<32x512xf32>
    %min3A_76 = arith.constant 1.000000e+00 : f32
    %min3A_77 = vector.broadcast %min3A_76 : f32 to vector<32x512xf32>
    %min3A_78 = arith.minimumf %max3A_75, %min3A_77 : vector<32x512xf32>
    %add3A_79 = arith.addf %add3A_54, %min3A_78 : vector<32x512xf32>
    %add3A_80 = arith.constant 1536 : i32
    %add3A_81 = vector.broadcast %add3A_80 : i32 to vector<32x512xi32>
    %add3A_82 = arith.addi %iota3A, %add3A_81 : vector<32x512xi32>
    %lt3A_83 = vector.broadcast %get3A_1 : vector<32x1xi32> to vector<32x512xi32>
    %lt3A_84 = arith.cmpi slt, %add3A_82, %lt3A_83 : vector<32x512xi32>
    %get3A_85 = arith.constant 0 : index
    %get3A_86 = arith.constant 1536 : index
    %get3A_87 = vector.load %arg1[%get3A_85, %get3A_86] : memref<32x4096xf32, #tpu.memory_space<vmem>>, vector<32x512xf32>
    %mul3A_88 = arith.constant 1.000000e+01 : f32
    %mul3A_89 = vector.broadcast %mul3A_88 : f32 to vector<32x512xf32>
    %mul3A_90 = arith.mulf %get3A_87, %mul3A_89 : vector<32x512xf32>
    %jit3A_91 = arith.constant -1.000000e+04 : f32
    %broadcast_in_dim3A_92 = vector.broadcast %jit3A_91 : f32 to vector<32x512xf32>
    %select_n3A_93 = arith.select %lt3A_84, %mul3A_90, %broadcast_in_dim3A_92 : vector<32x512xi1>, vector<32x512xf32>
    %swap3A_94 = arith.constant 0 : index
    %swap3A_95 = arith.constant 1536 : index
    %swap3A_96 = vector.load %arg4[%swap3A_94, %swap3A_95] : memref<32x4096xf32, #tpu.memory_space<vmem>>, vector<32x512xf32>
    tpu.vector_store %arg4[%swap3A_94, %swap3A_95], %select_n3A_93 {strides = array<i32>} : memref<32x4096xf32, #tpu.memory_space<vmem>>, vector<32x512xf32>,
    %max3A_97 = arith.maximumf %max3A_72, %select_n3A_93 : vector<32x512xf32>
    %max3A_98 = arith.constant 0.000000e+00 : f32
    %max3A_99 = vector.broadcast %max3A_98 : f32 to vector<32x512xf32>
    %max3A_100 = arith.maximumf %select_n3A_93, %max3A_99 : vector<32x512xf32>
    %min3A_101 = arith.constant 1.000000e+00 : f32
    %min3A_102 = vector.broadcast %min3A_101 : f32 to vector<32x512xf32>
    %min3A_103 = arith.minimumf %max3A_100, %min3A_102 : vector<32x512xf32>
    %add3A_104 = arith.addf %add3A_79, %min3A_103 : vector<32x512xf32>
    %add3A_105 = arith.constant 2048 : i32
    %add3A_106 = vector.broadcast %add3A_105 : i32 to vector<32x512xi32>
    %add3A_107 = arith.addi %iota3A, %add3A_106 : vector<32x512xi32>
    %lt3A_108 = vector.broadcast %get3A_1 : vector<32x1xi32> to vector<32x512xi32>
    %lt3A_109 = arith.cmpi slt, %add3A_107, %lt3A_108 : vector<32x512xi32>
    %get3A_110 = arith.constant 0 : index
    %get3A_111 = arith.constant 2048 : index
    %get3A_112 = vector.load %arg1[%get3A_110, %get3A_111] : memref<32x4096xf32, #tpu.memory_space<vmem>>, vector<32x512xf32>
    %mul3A_113 = arith.constant 1.000000e+01 : f32
    %mul3A_114 = vector.broadcast %mul3A_113 : f32 to vector<32x512xf32>
    %mul3A_115 = arith.mulf %get3A_112, %mul3A_114 : vector<32x512xf32>
    %jit3A_116 = arith.constant -1.000000e+04 : f32
    %broadcast_in_dim3A_117 = vector.broadcast %jit3A_116 : f32 to vector<32x512xf32>
    %select_n3A_118 = arith.select %lt3A_109, %mul3A_115, %broadcast_in_dim3A_117 : vector<32x512xi1>, vector<32x512xf32>
    %swap3A_119 = arith.constant 0 : index
    %swap3A_120 = arith.constant 2048 : index
    %swap3A_121 = vector.load %arg4[%swap3A_119, %swap3A_120] : memref<32x4096xf32, #tpu.memory_space<vmem>>, vector<32x512xf32>
    tpu.vector_store %arg4[%swap3A_119, %swap3A_120], %select_n3A_118 {strides = array<i32>} : memref<32x4096xf32, #tpu.memory_space<vmem>>, vector<32x512xf32>,
    %max3A_122 = arith.maximumf %max3A_97, %select_n3A_118 : vector<32x512xf32>
    %max3A_123 = arith.constant 0.000000e+00 : f32
    %max3A_124 = vector.broadcast %max3A_123 : f32 to vector<32x512xf32>
    %max3A_125 = arith.maximumf %select_n3A_118, %max3A_124 : vector<32x512xf32>
    %min3A_126 = arith.constant 1.000000e+00 : f32
    %min3A_127 = vector.broadcast %min3A_126 : f32 to vector<32x512xf32>
    %min3A_128 = arith.minimumf %max3A_125, %min3A_127 : vector<32x512xf32>
    %add3A_129 = arith.addf %add3A_104, %min3A_128 : vector<32x512xf32>
    %add3A_130 = arith.constant 2560 : i32
    %add3A_131 = vector.broadcast %add3A_130 : i32 to vector<32x512xi32>
    %add3A_132 = arith.addi %iota3A, %add3A_131 : vector<32x512xi32>
    %lt3A_133 = vector.broadcast %get3A_1 : vector<32x1xi32> to vector<32x512xi32>
    %lt3A_134 = arith.cmpi slt, %add3A_132, %lt3A_133 : vector<32x512xi32>
    %get3A_135 = arith.constant 0 : index
    %get3A_136 = arith.constant 2560 : index
    %get3A_137 = vector.load %arg1[%get3A_135, %get3A_136] : memref<32x4096xf32, #tpu.memory_space<vmem>>, vector<32x512xf32>
    %mul3A_138 = arith.constant 1.000000e+01 : f32
    %mul3A_139 = vector.broadcast %mul3A_138 : f32 to vector<32x512xf32>
    %mul3A_140 = arith.mulf %get3A_137, %mul3A_139 : vector<32x512xf32>
    %jit3A_141 = arith.constant -1.000000e+04 : f32
    %broadcast_in_dim3A_142 = vector.broadcast %jit3A_141 : f32 to vector<32x512xf32>
    %select_n3A_143 = arith.select %lt3A_134, %mul3A_140, %broadcast_in_dim3A_142 : vector<32x512xi1>, vector<32x512xf32>
    %swap3A_144 = arith.constant 0 : index
    %swap3A_145 = arith.constant 2560 : index
    %swap3A_146 = vector.load %arg4[%swap3A_144, %swap3A_145] : memref<32x4096xf32, #tpu.memory_space<vmem>>, vector<32x512xf32>
    tpu.vector_store %arg4[%swap3A_144, %swap3A_145], %select_n3A_143 {strides = array<i32>} : memref<32x4096xf32, #tpu.memory_space<vmem>>, vector<32x512xf32>,
    %max3A_147 = arith.maximumf %max3A_122, %select_n3A_143 : vector<32x512xf32>
    %max3A_148 = arith.constant 0.000000e+00 : f32
    %max3A_149 = vector.broadcast %max3A_148 : f32 to vector<32x512xf32>
    %max3A_150 = arith.maximumf %select_n3A_143, %max3A_149 : vector<32x512xf32>
    %min3A_151 = arith.constant 1.000000e+00 : f32
    %min3A_152 = vector.broadcast %min3A_151 : f32 to vector<32x512xf32>
    %min3A_153 = arith.minimumf %max3A_150, %min3A_152 : vector<32x512xf32>
    %add3A_154 = arith.addf %add3A_129, %min3A_153 : vector<32x512xf32>
    %add3A_155 = arith.constant 3072 : i32
    %add3A_156 = vector.broadcast %add3A_155 : i32 to vector<32x512xi32>
    %add3A_157 = arith.addi %iota3A, %add3A_156 : vector<32x512xi32>
    %lt3A_158 = vector.broadcast %get3A_1 : vector<32x1xi32> to vector<32x512xi32>
    %lt3A_159 = arith.cmpi slt, %add3A_157, %lt3A_158 : vector<32x512xi32>
    %get3A_160 = arith.constant 0 : index
    %get3A_161 = arith.constant 3072 : index
    %get3A_162 = vector.load %arg1[%get3A_160, %get3A_161] : memref<32x4096xf32, #tpu.memory_space<vmem>>, vector<32x512xf32>
    %mul3A_163 = arith.constant 1.000000e+01 : f32
    %mul3A_164 = vector.broadcast %mul3A_163 : f32 to vector<32x512xf32>
    %mul3A_165 = arith.mulf %get3A_162, %mul3A_164 : vector<32x512xf32>
    %jit3A_166 = arith.constant -1.000000e+04 : f32
    %broadcast_in_dim3A_167 = vector.broadcast %jit3A_166 : f32 to vector<32x512xf32>
    %select_n3A_168 = arith.select %lt3A_159, %mul3A_165, %broadcast_in_dim3A_167 : vector<32x512xi1>, vector<32x512xf32>
    %swap3A_169 = arith.constant 0 : index
    %swap3A_170 = arith.constant 3072 : index
    %swap3A_171 = vector.load %arg4[%swap3A_169, %swap3A_170] : memref<32x4096xf32, #tpu.memory_space<vmem>>, vector<32x512xf32>
    tpu.vector_store %arg4[%swap3A_169, %swap3A_170], %select_n3A_168 {strides = array<i32>} : memref<32x4096xf32, #tpu.memory_space<vmem>>, vector<32x512xf32>,
    %max3A_172 = arith.maximumf %max3A_147, %select_n3A_168 : vector<32x512xf32>
    %max3A_173 = arith.constant 0.000000e+00 : f32
    %max3A_174 = vector.broadcast %max3A_173 : f32 to vector<32x512xf32>
    %max3A_175 = arith.maximumf %select_n3A_168, %max3A_174 : vector<32x512xf32>
    %min3A_176 = arith.constant 1.000000e+00 : f32
    %min3A_177 = vector.broadcast %min3A_176 : f32 to vector<32x512xf32>
    %min3A_178 = arith.minimumf %max3A_175, %min3A_177 : vector<32x512xf32>
    %add3A_179 = arith.addf %add3A_154, %min3A_178 : vector<32x512xf32>
    %add3A_180 = arith.constant 3584 : i32
    %add3A_181 = vector.broadcast %add3A_180 : i32 to vector<32x512xi32>
    %add3A_182 = arith.addi %iota3A, %add3A_181 : vector<32x512xi32>
    %lt3A_183 = vector.broadcast %get3A_1 : vector<32x1xi32> to vector<32x512xi32>
    %lt3A_184 = arith.cmpi slt, %add3A_182, %lt3A_183 : vector<32x512xi32>
    %get3A_185 = arith.constant 0 : index
    %get3A_186 = arith.constant 3584 : index
    %get3A_187 = vector.load %arg1[%get3A_185, %get3A_186] : memref<32x4096xf32, #tpu.memory_space<vmem>>, vector<32x512xf32>
    %mul3A_188 = arith.constant 1.000000e+01 : f32
    %mul3A_189 = vector.broadcast %mul3A_188 : f32 to vector<32x512xf32>
    %mul3A_190 = arith.mulf %get3A_187, %mul3A_189 : vector<32x512xf32>
    %jit3A_191 = arith.constant -1.000000e+04 : f32
    %broadcast_in_dim3A_192 = vector.broadcast %jit3A_191 : f32 to vector<32x512xf32>
    %select_n3A_193 = arith.select %lt3A_184, %mul3A_190, %broadcast_in_dim3A_192 : vector<32x512xi1>, vector<32x512xf32>
    %swap3A_194 = arith.constant 0 : index
    %swap3A_195 = arith.constant 3584 : index
    %swap3A_196 = vector.load %arg4[%swap3A_194, %swap3A_195] : memref<32x4096xf32, #tpu.memory_space<vmem>>, vector<32x512xf32>
    tpu.vector_store %arg4[%swap3A_194, %swap3A_195], %select_n3A_193 {strides = array<i32>} : memref<32x4096xf32, #tpu.memory_space<vmem>>, vector<32x512xf32>,
    %max3A_197 = arith.maximumf %max3A_172, %select_n3A_193 : vector<32x512xf32>
    %max3A_198 = arith.constant 0.000000e+00 : f32
    %max3A_199 = vector.broadcast %max3A_198 : f32 to vector<32x512xf32>
    %max3A_200 = arith.maximumf %select_n3A_193, %max3A_199 : vector<32x512xf32>
    %min3A_201 = arith.constant 1.000000e+00 : f32
    %min3A_202 = vector.broadcast %min3A_201 : f32 to vector<32x512xf32>
    %min3A_203 = arith.minimumf %max3A_200, %min3A_202 : vector<32x512xf32>
    %add3A_204 = arith.addf %add3A_179, %min3A_203 : vector<32x512xf32>
    %reduce_max3A = arith.constant dense<0xFF800000> : vector<32xf32>
    %reduce_max3A_205 = vector.multi_reduction <maximumf>, %max3A_197, %reduce_max3A [1] : vector<32x512xf32> to vector<32xf32>
    %broadcast_in_dim3A_206 = vector.shape_cast %reduce_max3A_205 : vector<32xf32> to vector<32x1xf32>
    %broadcast_in_dim3A_207 = arith.constant 1.000000e+00 : f32
    %broadcast_in_dim3A_208 = vector.broadcast %broadcast_in_dim3A_207 : f32 to vector<512x1xf32>
    %dot_general3A = arith.constant dense<0.000000e+00> : vector<32x1xf32>
    %dot_general3A_209 = tpu.matmul %add3A_204, %broadcast_in_dim3A_208, %dot_general3A {dimension_numbers = #tpu.dot_dimension_numbers<[1], [0], [0], [1], [0, 0, 1, 1], [], []>, transpose_lhs_hint = false} : vector<32x512xf32>, vector<512x1xf32>, vector<32x1xf32> -> vector<32x1xf32>
    %broadcast_in_dim3A_210 = arith.constant 0.000000e+00 : f32
    %broadcast_in_dim3A_211 = vector.broadcast %broadcast_in_dim3A_210 : f32 to vector<32x1xf32>
    %scan3A = arith.constant 0 : i32
    %scan3A_212 = arith.constant 60 : i32
    %scan3A_213 = arith.addi %scan3A, %scan3A_212 : i32
    %scan3A_214 = arith.constant 1 : i32
    %scan3A_215:2 = scf.for %scan3A_334 = %scan3A to %scan3A_213 step %scan3A_214 iter_args(%scan3A_335 = %broadcast_in_dim3A_211, %scan3A_336 = %broadcast_in_dim3A_206) -> (vector<32x1xf32>, vector<32x1xf32>)  : i32 {
      %add3A_337 = arith.addf %scan3A_335, %scan3A_336 : vector<32x1xf32>
      %mul3A_338 = arith.constant 5.000000e-01 : f32
      %mul3A_339 = vector.broadcast %mul3A_338 : f32 to vector<32x1xf32>
      %mul3A_340 = arith.mulf %mul3A_339, %add3A_337 : vector<32x1xf32>
      %broadcast_in_dim3A_341 = arith.constant 0.000000e+00 : f32
      %broadcast_in_dim3A_342 = vector.broadcast %broadcast_in_dim3A_341 : f32 to vector<32x512xf32>
      %get3A_343 = arith.constant 0 : index
      %get3A_344 = arith.constant 0 : index
      %get3A_345 = vector.load %arg4[%get3A_343, %get3A_344] : memref<32x4096xf32, #tpu.memory_space<vmem>>, vector<32x512xf32>
      %sub3A_346 = vector.broadcast %mul3A_340 : vector<32x1xf32> to vector<32x512xf32>
      %sub3A_347 = arith.subf %get3A_345, %sub3A_346 : vector<32x512xf32>
      %max3A_348 = arith.constant 0.000000e+00 : f32
      %max3A_349 = vector.broadcast %max3A_348 : f32 to vector<32x512xf32>
      %max3A_350 = arith.maximumf %sub3A_347, %max3A_349 : vector<32x512xf32>
      %min3A_351 = arith.constant 1.000000e+00 : f32
      %min3A_352 = vector.broadcast %min3A_351 : f32 to vector<32x512xf32>
      %min3A_353 = arith.minimumf %max3A_350, %min3A_352 : vector<32x512xf32>
      %add3A_354 = arith.addf %broadcast_in_dim3A_342, %min3A_353 : vector<32x512xf32>
      %get3A_355 = arith.constant 0 : index
      %get3A_356 = arith.constant 512 : index
      %get3A_357 = vector.load %arg4[%get3A_355, %get3A_356] : memref<32x4096xf32, #tpu.memory_space<vmem>>, vector<32x512xf32>
      %sub3A_358 = vector.broadcast %mul3A_340 : vector<32x1xf32> to vector<32x512xf32>
      %sub3A_359 = arith.subf %get3A_357, %sub3A_358 : vector<32x512xf32>
      %max3A_360 = arith.constant 0.000000e+00 : f32
      %max3A_361 = vector.broadcast %max3A_360 : f32 to vector<32x512xf32>
      %max3A_362 = arith.maximumf %sub3A_359, %max3A_361 : vector<32x512xf32>
      %min3A_363 = arith.constant 1.000000e+00 : f32
      %min3A_364 = vector.broadcast %min3A_363 : f32 to vector<32x512xf32>
      %min3A_365 = arith.minimumf %max3A_362, %min3A_364 : vector<32x512xf32>
      %add3A_366 = arith.addf %add3A_354, %min3A_365 : vector<32x512xf32>
      %get3A_367 = arith.constant 0 : index
      %get3A_368 = arith.constant 1024 : index
      %get3A_369 = vector.load %arg4[%get3A_367, %get3A_368] : memref<32x4096xf32, #tpu.memory_space<vmem>>, vector<32x512xf32>
      %sub3A_370 = vector.broadcast %mul3A_340 : vector<32x1xf32> to vector<32x512xf32>
      %sub3A_371 = arith.subf %get3A_369, %sub3A_370 : vector<32x512xf32>
      %max3A_372 = arith.constant 0.000000e+00 : f32
      %max3A_373 = vector.broadcast %max3A_372 : f32 to vector<32x512xf32>
      %max3A_374 = arith.maximumf %sub3A_371, %max3A_373 : vector<32x512xf32>
      %min3A_375 = arith.constant 1.000000e+00 : f32
      %min3A_376 = vector.broadcast %min3A_375 : f32 to vector<32x512xf32>
      %min3A_377 = arith.minimumf %max3A_374, %min3A_376 : vector<32x512xf32>
      %add3A_378 = arith.addf %add3A_366, %min3A_377 : vector<32x512xf32>
      %get3A_379 = arith.constant 0 : index
      %get3A_380 = arith.constant 1536 : index
      %get3A_381 = vector.load %arg4[%get3A_379, %get3A_380] : memref<32x4096xf32, #tpu.memory_space<vmem>>, vector<32x512xf32>
      %sub3A_382 = vector.broadcast %mul3A_340 : vector<32x1xf32> to vector<32x512xf32>
      %sub3A_383 = arith.subf %get3A_381, %sub3A_382 : vector<32x512xf32>
      %max3A_384 = arith.constant 0.000000e+00 : f32
      %max3A_385 = vector.broadcast %max3A_384 : f32 to vector<32x512xf32>
      %max3A_386 = arith.maximumf %sub3A_383, %max3A_385 : vector<32x512xf32>
      %min3A_387 = arith.constant 1.000000e+00 : f32
      %min3A_388 = vector.broadcast %min3A_387 : f32 to vector<32x512xf32>
      %min3A_389 = arith.minimumf %max3A_386, %min3A_388 : vector<32x512xf32>
      %add3A_390 = arith.addf %add3A_378, %min3A_389 : vector<32x512xf32>
      %get3A_391 = arith.constant 0 : index
      %get3A_392 = arith.constant 2048 : index
      %get3A_393 = vector.load %arg4[%get3A_391, %get3A_392] : memref<32x4096xf32, #tpu.memory_space<vmem>>, vector<32x512xf32>
      %sub3A_394 = vector.broadcast %mul3A_340 : vector<32x1xf32> to vector<32x512xf32>
      %sub3A_395 = arith.subf %get3A_393, %sub3A_394 : vector<32x512xf32>
      %max3A_396 = arith.constant 0.000000e+00 : f32
      %max3A_397 = vector.broadcast %max3A_396 : f32 to vector<32x512xf32>
      %max3A_398 = arith.maximumf %sub3A_395, %max3A_397 : vector<32x512xf32>
      %min3A_399 = arith.constant 1.000000e+00 : f32
      %min3A_400 = vector.broadcast %min3A_399 : f32 to vector<32x512xf32>
      %min3A_401 = arith.minimumf %max3A_398, %min3A_400 : vector<32x512xf32>
      %add3A_402 = arith.addf %add3A_390, %min3A_401 : vector<32x512xf32>
      %get3A_403 = arith.constant 0 : index
      %get3A_404 = arith.constant 2560 : index
      %get3A_405 = vector.load %arg4[%get3A_403, %get3A_404] : memref<32x4096xf32, #tpu.memory_space<vmem>>, vector<32x512xf32>
      %sub3A_406 = vector.broadcast %mul3A_340 : vector<32x1xf32> to vector<32x512xf32>
      %sub3A_407 = arith.subf %get3A_405, %sub3A_406 : vector<32x512xf32>
      %max3A_408 = arith.constant 0.000000e+00 : f32
      %max3A_409 = vector.broadcast %max3A_408 : f32 to vector<32x512xf32>
      %max3A_410 = arith.maximumf %sub3A_407, %max3A_409 : vector<32x512xf32>
      %min3A_411 = arith.constant 1.000000e+00 : f32
      %min3A_412 = vector.broadcast %min3A_411 : f32 to vector<32x512xf32>
      %min3A_413 = arith.minimumf %max3A_410, %min3A_412 : vector<32x512xf32>
      %add3A_414 = arith.addf %add3A_402, %min3A_413 : vector<32x512xf32>
      %get3A_415 = arith.constant 0 : index
      %get3A_416 = arith.constant 3072 : index
      %get3A_417 = vector.load %arg4[%get3A_415, %get3A_416] : memref<32x4096xf32, #tpu.memory_space<vmem>>, vector<32x512xf32>
      %sub3A_418 = vector.broadcast %mul3A_340 : vector<32x1xf32> to vector<32x512xf32>
      %sub3A_419 = arith.subf %get3A_417, %sub3A_418 : vector<32x512xf32>
      %max3A_420 = arith.constant 0.000000e+00 : f32
      %max3A_421 = vector.broadcast %max3A_420 : f32 to vector<32x512xf32>
      %max3A_422 = arith.maximumf %sub3A_419, %max3A_421 : vector<32x512xf32>
      %min3A_423 = arith.constant 1.000000e+00 : f32
      %min3A_424 = vector.broadcast %min3A_423 : f32 to vector<32x512xf32>
      %min3A_425 = arith.minimumf %max3A_422, %min3A_424 : vector<32x512xf32>
      %add3A_426 = arith.addf %add3A_414, %min3A_425 : vector<32x512xf32>
      %get3A_427 = arith.constant 0 : index
      %get3A_428 = arith.constant 3584 : index
      %get3A_429 = vector.load %arg4[%get3A_427, %get3A_428] : memref<32x4096xf32, #tpu.memory_space<vmem>>, vector<32x512xf32>
      %sub3A_430 = vector.broadcast %mul3A_340 : vector<32x1xf32> to vector<32x512xf32>
      %sub3A_431 = arith.subf %get3A_429, %sub3A_430 : vector<32x512xf32>
      %max3A_432 = arith.constant 0.000000e+00 : f32
      %max3A_433 = vector.broadcast %max3A_432 : f32 to vector<32x512xf32>
      %max3A_434 = arith.maximumf %sub3A_431, %max3A_433 : vector<32x512xf32>
      %min3A_435 = arith.constant 1.000000e+00 : f32
      %min3A_436 = vector.broadcast %min3A_435 : f32 to vector<32x512xf32>
      %min3A_437 = arith.minimumf %max3A_434, %min3A_436 : vector<32x512xf32>
      %add3A_438 = arith.addf %add3A_426, %min3A_437 : vector<32x512xf32>
      %broadcast_in_dim3A_439 = arith.constant 1.000000e+00 : f32
      %broadcast_in_dim3A_440 = vector.broadcast %broadcast_in_dim3A_439 : f32 to vector<512x1xf32>
      %dot_general3A_441 = arith.constant dense<0.000000e+00> : vector<32x1xf32>
      %dot_general3A_442 = tpu.matmul %add3A_438, %broadcast_in_dim3A_440, %dot_general3A_441 {dimension_numbers = #tpu.dot_dimension_numbers<[1], [0], [0], [1], [0, 0, 1, 1], [], []>, transpose_lhs_hint = false} : vector<32x512xf32>, vector<512x1xf32>, vector<32x1xf32> -> vector<32x1xf32>
      %gt3A = arith.cmpf ogt, %dot_general3A_442, %convert_element_type3A_7 : vector<32x1xf32>
      %select_n3A_443 = arith.select %gt3A, %mul3A_340, %scan3A_335 : vector<32x1xi1>, vector<32x1xf32>
      %select_n3A_444 = arith.select %gt3A, %scan3A_336, %mul3A_340 : vector<32x1xi1>, vector<32x1xf32>
      scf.yield %select_n3A_443, %select_n3A_444 : vector<32x1xf32>, vector<32x1xf32>
    }
    %le3A = arith.cmpf ole, %dot_general3A_209, %convert_element_type3A_7 : vector<32x1xf32>
    %broadcast_in_dim3A_216 = arith.constant 0.000000e+00 : f32
    %broadcast_in_dim3A_217 = vector.broadcast %broadcast_in_dim3A_216 : f32 to vector<32x1xf32>
    %add3A_218 = arith.addf %scan3A_215#0, %scan3A_215#1 : vector<32x1xf32>
    %mul3A_219 = arith.constant 5.000000e-01 : f32
    %mul3A_220 = vector.broadcast %mul3A_219 : f32 to vector<32x1xf32>
    %mul3A_221 = arith.mulf %mul3A_220, %add3A_218 : vector<32x1xf32>
    %select_n3A_222 = arith.select %le3A, %broadcast_in_dim3A_217, %mul3A_221 : vector<32x1xi1>, vector<32x1xf32>
    %get3A_223 = arith.constant 0 : index
    %get3A_224 = arith.constant 0 : index
    %get3A_225 = vector.load %arg4[%get3A_223, %get3A_224] : memref<32x4096xf32, #tpu.memory_space<vmem>>, vector<32x512xf32>
    %sub3A = vector.broadcast %select_n3A_222 : vector<32x1xf32> to vector<32x512xf32>
    %sub3A_226 = arith.subf %get3A_225, %sub3A : vector<32x512xf32>
    %max3A_227 = arith.constant 0.000000e+00 : f32
    %max3A_228 = vector.broadcast %max3A_227 : f32 to vector<32x512xf32>
    %max3A_229 = arith.maximumf %sub3A_226, %max3A_228 : vector<32x512xf32>
    %min3A_230 = arith.constant 1.000000e+00 : f32
    %min3A_231 = vector.broadcast %min3A_230 : f32 to vector<32x512xf32>
    %min3A_232 = arith.minimumf %max3A_229, %min3A_231 : vector<32x512xf32>
    %swap3A_233 = arith.constant 0 : index
    %swap3A_234 = arith.constant 0 : index
    %swap3A_235 = vector.load %arg3[%swap3A_233, %swap3A_234] : memref<32x4096xf32, #tpu.memory_space<vmem>>, vector<32x512xf32>
    tpu.vector_store %arg3[%swap3A_233, %swap3A_234], %min3A_232 {strides = array<i32>} : memref<32x4096xf32, #tpu.memory_space<vmem>>, vector<32x512xf32>,
    %get3A_236 = arith.constant 0 : index
    %get3A_237 = arith.constant 512 : index
    %get3A_238 = vector.load %arg4[%get3A_236, %get3A_237] : memref<32x4096xf32, #tpu.memory_space<vmem>>, vector<32x512xf32>
    %sub3A_239 = vector.broadcast %select_n3A_222 : vector<32x1xf32> to vector<32x512xf32>
    %sub3A_240 = arith.subf %get3A_238, %sub3A_239 : vector<32x512xf32>
    %max3A_241 = arith.constant 0.000000e+00 : f32
    %max3A_242 = vector.broadcast %max3A_241 : f32 to vector<32x512xf32>
    %max3A_243 = arith.maximumf %sub3A_240, %max3A_242 : vector<32x512xf32>
    %min3A_244 = arith.constant 1.000000e+00 : f32
    %min3A_245 = vector.broadcast %min3A_244 : f32 to vector<32x512xf32>
    %min3A_246 = arith.minimumf %max3A_243, %min3A_245 : vector<32x512xf32>
    %swap3A_247 = arith.constant 0 : index
    %swap3A_248 = arith.constant 512 : index
    %swap3A_249 = vector.load %arg3[%swap3A_247, %swap3A_248] : memref<32x4096xf32, #tpu.memory_space<vmem>>, vector<32x512xf32>
    tpu.vector_store %arg3[%swap3A_247, %swap3A_248], %min3A_246 {strides = array<i32>} : memref<32x4096xf32, #tpu.memory_space<vmem>>, vector<32x512xf32>,
    %get3A_250 = arith.constant 0 : index
    %get3A_251 = arith.constant 1024 : index
    %get3A_252 = vector.load %arg4[%get3A_250, %get3A_251] : memref<32x4096xf32, #tpu.memory_space<vmem>>, vector<32x512xf32>
    %sub3A_253 = vector.broadcast %select_n3A_222 : vector<32x1xf32> to vector<32x512xf32>
    %sub3A_254 = arith.subf %get3A_252, %sub3A_253 : vector<32x512xf32>
    %max3A_255 = arith.constant 0.000000e+00 : f32
    %max3A_256 = vector.broadcast %max3A_255 : f32 to vector<32x512xf32>
    %max3A_257 = arith.maximumf %sub3A_254, %max3A_256 : vector<32x512xf32>
    %min3A_258 = arith.constant 1.000000e+00 : f32
    %min3A_259 = vector.broadcast %min3A_258 : f32 to vector<32x512xf32>
    %min3A_260 = arith.minimumf %max3A_257, %min3A_259 : vector<32x512xf32>
    %swap3A_261 = arith.constant 0 : index
    %swap3A_262 = arith.constant 1024 : index
    %swap3A_263 = vector.load %arg3[%swap3A_261, %swap3A_262] : memref<32x4096xf32, #tpu.memory_space<vmem>>, vector<32x512xf32>
    tpu.vector_store %arg3[%swap3A_261, %swap3A_262], %min3A_260 {strides = array<i32>} : memref<32x4096xf32, #tpu.memory_space<vmem>>, vector<32x512xf32>,
    %get3A_264 = arith.constant 0 : index
    %get3A_265 = arith.constant 1536 : index
    %get3A_266 = vector.load %arg4[%get3A_264, %get3A_265] : memref<32x4096xf32, #tpu.memory_space<vmem>>, vector<32x512xf32>
    %sub3A_267 = vector.broadcast %select_n3A_222 : vector<32x1xf32> to vector<32x512xf32>
    %sub3A_268 = arith.subf %get3A_266, %sub3A_267 : vector<32x512xf32>
    %max3A_269 = arith.constant 0.000000e+00 : f32
    %max3A_270 = vector.broadcast %max3A_269 : f32 to vector<32x512xf32>
    %max3A_271 = arith.maximumf %sub3A_268, %max3A_270 : vector<32x512xf32>
    %min3A_272 = arith.constant 1.000000e+00 : f32
    %min3A_273 = vector.broadcast %min3A_272 : f32 to vector<32x512xf32>
    %min3A_274 = arith.minimumf %max3A_271, %min3A_273 : vector<32x512xf32>
    %swap3A_275 = arith.constant 0 : index
    %swap3A_276 = arith.constant 1536 : index
    %swap3A_277 = vector.load %arg3[%swap3A_275, %swap3A_276] : memref<32x4096xf32, #tpu.memory_space<vmem>>, vector<32x512xf32>
    tpu.vector_store %arg3[%swap3A_275, %swap3A_276], %min3A_274 {strides = array<i32>} : memref<32x4096xf32, #tpu.memory_space<vmem>>, vector<32x512xf32>,
    %get3A_278 = arith.constant 0 : index
    %get3A_279 = arith.constant 2048 : index
    %get3A_280 = vector.load %arg4[%get3A_278, %get3A_279] : memref<32x4096xf32, #tpu.memory_space<vmem>>, vector<32x512xf32>
    %sub3A_281 = vector.broadcast %select_n3A_222 : vector<32x1xf32> to vector<32x512xf32>
    %sub3A_282 = arith.subf %get3A_280, %sub3A_281 : vector<32x512xf32>
    %max3A_283 = arith.constant 0.000000e+00 : f32
    %max3A_284 = vector.broadcast %max3A_283 : f32 to vector<32x512xf32>
    %max3A_285 = arith.maximumf %sub3A_282, %max3A_284 : vector<32x512xf32>
    %min3A_286 = arith.constant 1.000000e+00 : f32
    %min3A_287 = vector.broadcast %min3A_286 : f32 to vector<32x512xf32>
    %min3A_288 = arith.minimumf %max3A_285, %min3A_287 : vector<32x512xf32>
    %swap3A_289 = arith.constant 0 : index
    %swap3A_290 = arith.constant 2048 : index
    %swap3A_291 = vector.load %arg3[%swap3A_289, %swap3A_290] : memref<32x4096xf32, #tpu.memory_space<vmem>>, vector<32x512xf32>
    tpu.vector_store %arg3[%swap3A_289, %swap3A_290], %min3A_288 {strides = array<i32>} : memref<32x4096xf32, #tpu.memory_space<vmem>>, vector<32x512xf32>,
    %get3A_292 = arith.constant 0 : index
    %get3A_293 = arith.constant 2560 : index
    %get3A_294 = vector.load %arg4[%get3A_292, %get3A_293] : memref<32x4096xf32, #tpu.memory_space<vmem>>, vector<32x512xf32>
    %sub3A_295 = vector.broadcast %select_n3A_222 : vector<32x1xf32> to vector<32x512xf32>
    %sub3A_296 = arith.subf %get3A_294, %sub3A_295 : vector<32x512xf32>
    %max3A_297 = arith.constant 0.000000e+00 : f32
    %max3A_298 = vector.broadcast %max3A_297 : f32 to vector<32x512xf32>
    %max3A_299 = arith.maximumf %sub3A_296, %max3A_298 : vector<32x512xf32>
    %min3A_300 = arith.constant 1.000000e+00 : f32
    %min3A_301 = vector.broadcast %min3A_300 : f32 to vector<32x512xf32>
    %min3A_302 = arith.minimumf %max3A_299, %min3A_301 : vector<32x512xf32>
    %swap3A_303 = arith.constant 0 : index
    %swap3A_304 = arith.constant 2560 : index
    %swap3A_305 = vector.load %arg3[%swap3A_303, %swap3A_304] : memref<32x4096xf32, #tpu.memory_space<vmem>>, vector<32x512xf32>
    tpu.vector_store %arg3[%swap3A_303, %swap3A_304], %min3A_302 {strides = array<i32>} : memref<32x4096xf32, #tpu.memory_space<vmem>>, vector<32x512xf32>,
    %get3A_306 = arith.constant 0 : index
    %get3A_307 = arith.constant 3072 : index
    %get3A_308 = vector.load %arg4[%get3A_306, %get3A_307] : memref<32x4096xf32, #tpu.memory_space<vmem>>, vector<32x512xf32>
    %sub3A_309 = vector.broadcast %select_n3A_222 : vector<32x1xf32> to vector<32x512xf32>
    %sub3A_310 = arith.subf %get3A_308, %sub3A_309 : vector<32x512xf32>
    %max3A_311 = arith.constant 0.000000e+00 : f32
    %max3A_312 = vector.broadcast %max3A_311 : f32 to vector<32x512xf32>
    %max3A_313 = arith.maximumf %sub3A_310, %max3A_312 : vector<32x512xf32>
    %min3A_314 = arith.constant 1.000000e+00 : f32
    %min3A_315 = vector.broadcast %min3A_314 : f32 to vector<32x512xf32>
    %min3A_316 = arith.minimumf %max3A_313, %min3A_315 : vector<32x512xf32>
    %swap3A_317 = arith.constant 0 : index
    %swap3A_318 = arith.constant 3072 : index
    %swap3A_319 = vector.load %arg3[%swap3A_317, %swap3A_318] : memref<32x4096xf32, #tpu.memory_space<vmem>>, vector<32x512xf32>
    tpu.vector_store %arg3[%swap3A_317, %swap3A_318], %min3A_316 {strides = array<i32>} : memref<32x4096xf32, #tpu.memory_space<vmem>>, vector<32x512xf32>,
    %get3A_320 = arith.constant 0 : index
    %get3A_321 = arith.constant 3584 : index
    %get3A_322 = vector.load %arg4[%get3A_320, %get3A_321] : memref<32x4096xf32, #tpu.memory_space<vmem>>, vector<32x512xf32>
    %sub3A_323 = vector.broadcast %select_n3A_222 : vector<32x1xf32> to vector<32x512xf32>
    %sub3A_324 = arith.subf %get3A_322, %sub3A_323 : vector<32x512xf32>
    %max3A_325 = arith.constant 0.000000e+00 : f32
    %max3A_326 = vector.broadcast %max3A_325 : f32 to vector<32x512xf32>
    %max3A_327 = arith.maximumf %sub3A_324, %max3A_326 : vector<32x512xf32>
    %min3A_328 = arith.constant 1.000000e+00 : f32
    %min3A_329 = vector.broadcast %min3A_328 : f32 to vector<32x512xf32>
    %min3A_330 = arith.minimumf %max3A_327, %min3A_329 : vector<32x512xf32>
    %swap3A_331 = arith.constant 0 : index
    %swap3A_332 = arith.constant 3584 : index
    %swap3A_333 = vector.load %arg3[%swap3A_331, %swap3A_332] : memref<32x4096xf32, #tpu.memory_space<vmem>>, vector<32x512xf32>
    tpu.vector_store %arg3[%swap3A_331, %swap3A_332], %min3A_330 {strides = array<i32>} : memref<32x4096xf32, #tpu.memory_space<vmem>>, vector<32x512xf32>,
    return
  }
  func.func @transform_0(%arg0: i32) -> (i32, i32) {
    %c1_i32 = arith.constant 1 : i32
    %c0_i32 = arith.constant 0 : i32
    %c0_i32_0 = arith.constant 0 : i32
    return %c1_i32, %c0_i32 : i32, i32
  }
  func.func @transform_1(%arg0: i32) -> (i32, i32) {
    %c1_i32 = arith.constant 1 : i32
    %c0_i32 = arith.constant 0 : i32
    %c0_i32_0 = arith.constant 0 : i32
    return %c1_i32, %c0_i32 : i32, i32
  }
  func.func @transform_2(%arg0: i32) -> (i32, i32) {
    %c0_i32 = arith.constant 0 : i32
    %c0_i32_0 = arith.constant 0 : i32
    %c0_i32_1 = arith.constant 0 : i32
    return %c0_i32, %c0_i32_0 : i32, i32
  }
}

</mosaic_0001>

<sc_bundles>
// kernel: kernel.4.cloned.1.call-start
scs
__scs_entry_jumppad:
0x0: {  	(pc) =	sbr.rel $0x88, $3  }
0x1: {  	(tag) =	ssettag $0x0;
	lr =	simm.s32 $0x1  }
0x2: {  	[smem:$0x3F9F] =	sst lr;
	_ =	strace $0xD0000000  }
0x3: {  	_ = 	snop  }
0x4: {  	_ = 	snop  }
0x5: {  	_ = 	snop  }
0x6: {  	_ = 	snop  }
0x7: {  	_ = 	snop  }
__scs_overlays_trampoline_lowered:
0x8: {  	[smem:$0x3FAE] =	sst s0  }
0x9: {  	[smem:$0x3FAF] =	sst s1  }
0xa: {  	[smem:$0x3FB0] =	sst s2  }
0xb: {  	[smem:$0x3FB1] =	sst s3  }
0xc: {  	[smem:$0x3FB2] =	sst s4  }
0xd: {  	[smem:$0x3FB3] =	sst s5  }
0xe: {  	[smem:$0x3FB4] =	sst s6  }
0xf: {  	[smem:$0x3FB5] =	sst s7  }
0x10: {  	[smem:$0x3FB6] =	sst s8  }
0x11: {  	[smem:$0x3FB7] =	sst s9;
	s0 =	simm.s32 @!p0 $0x0  }
0x12: {  	s1 =	sld [smem:$0x3F9D];
	s0 =	simm.s32 @p0 $0x1  }
0x13: {  	[smem:$0x3FB8] =	sst s0;
	s0 =	simm.s32 @!p1 $0x0  }
0x14: {  	s2 =	sld [smem:$0x3F9C];
	s0 =	simm.s32 @p1 $0x1  }
0x15: {  	[smem:$0x3FB9] =	sst s0;
	s0 =	simm.s32 @!p2 $0x0  }
0x16: {  	s3 =	sld [smem:$0x3FDB];
	s0 =	simm.s32 @p2 $0x1  }
0x17: {  	s4 =	simm.s32 $0x1BF5;
	[smem:$0x3FBB] =	sst s0  }
0x18: {  	s0 =	sld [smem:$0x3F9E];
	_ =	swait.ge [sflag:s4], $0x0  }
0x19: {  	s7 =	sld [smem:$0x3F9F]  }
0x1a: {  	s8 =	sadd.s32 $0xFFFFE003, lr  }
0x1b: {  	s9 =	sadd.s32 $0xFFFFFEF7, lr;
	s5 =	simm.s32 $0xFFFFFFFF;
	p2 =	slt.u32 s8, $0xFFFFF086  }
0x1c: {  	p1 =	slt.u32 s9, $0xF7A;
	s5 =	simm.s32 @!p2 $0x0  }
0x1d: {  	s5 =	simm.s32 @p1 $0x1;
	p0 =	seq.s32 s7, s2  }
0x1e: {  	s7 =	smul.u32 @!p0 $0xF7A, s2;
	p2 =	seq.s32 @!p0 s5, $0x0  }
0x1f: {  	s9 =	smul.u32 $0xF7A, s1;
	s8 =	simm.s32 @!p0 $0x1BF5;
	p2 =	por !p2, p0  }
0x20: {  	[sflag:s8] =	ssyncset.s32 @!p0 $0xFFFFF086;
	s6 =	sadd.s32 @!p0 s3, s7;
	s7 =	simm.s32 @!p0 $0x108  }
0x21: {  	s3 =	sadd.s32 s3, s9;
	s6 =	sadd.s32 @!p0 $0x88, s6;
	s7 =	simm.s32 @p2 $0x1082  }
0x22: {  	[simem:s7], [sflag:s8] =	dma.local @!p0 [hbm:s6], $0xF7A  }
0x23: {  	s9 =	sor.u32 $0xD0000000, s2;
	s6 =	simm.s32 $0x108;
	_ =	swait.ge @!p0 [sflag:s8], $0x0  }
0x24: {  	s3 =	sadd.s32 $0x88, s3;
	s6 =	simm.s32 @!p1 $0x1082;
	[sflag:s4] =	ssyncset.s32 $0xFFFFF086  }
0x25: {  	[simem:s6], [sflag:s4] =	dma.local [hbm:s3], $0xF7A  }
0x26: {  	[smem:$0x3F9F] =	sst s1;
	(tag) =	ssettag s2;
	_ =	strace s9  }
0x27: {  	s1 =	sld [smem:$0x3FAF]  }
0x28: {  	s2 =	sld [smem:$0x3FB0]  }
0x29: {  	s4 =	sld [smem:$0x3FB2]  }
0x2a: {  	p0 =	seq.s32 s5, $0x0;
	s5 =	sld [smem:$0x3FB3]  }
0x2b: {  	s6 =	sld [smem:$0x3FB4]  }
0x2c: {  	s7 =	sld [smem:$0x3FB5]  }
0x2d: {  	s3 =	simm.s32 $0x108;
	s8 =	sld [smem:$0x3FB6]  }
0x2e: {  	s3 =	simm.s32 @!p0 $0x1082;
	s9 =	sld [smem:$0x3FB7]  }
0x2f: {  	lr =	sadd.s32 s0, s3;
	s0 =	sld [smem:$0x3FAE]  }
0x30: {  	s3 =	sld [smem:$0x3FB1]  }
0x31: {  	[smem:$0x3FBA] =	sst s10  }
0x32: {  	s10 =	sld [smem:$0x3FB8];
	_ =	sdelay $0x3  }
0x33: {  	p0 =	seq.s32 s10, $0x1;
	s10 =	sld [smem:$0x3FBA];
	_ =	sdelay $0x3  }
0x34: {  	[smem:$0x3FBA] =	sst s10  }
0x35: {  	s10 =	sld [smem:$0x3FB9];
	_ =	sdelay $0x3  }
0x36: {  	p1 =	seq.s32 s10, $0x1;
	s10 =	sld [smem:$0x3FBA];
	_ =	sdelay $0x3  }
0x37: {  	[smem:$0x3FBA] =	sst s10  }
0x38: {  	s10 =	sld [smem:$0x3FBB]  }
0x39: {  	_ = 	snop;
	(pc) =	sbr.ind lr, $3  }
0x3a: {  	_ = 	snop  }
0x3b: {  	_ = 	snop  }
0x3c: {  	p2 =	seq.s32 s10, $0x1;
	s10 =	sld [smem:$0x3FBA]  }
0x3d: {  	_ =	shalt  }
0x3e: {  	_ =	shalt  }
0x3f: {  	_ =	shalt  }
0x40: {  	_ =	shalt  }
0x41: {  	_ =	shalt  }
0x42: {  	_ =	shalt  }
0x43: {  	_ =	shalt  }
0x44: {  	_ =	shalt  }
0x45: {  	_ =	shalt  }
0x46: {  	_ =	shalt  }
0x47: {  	_ =	shalt  }
0x48: {  	_ =	shalt  }
0x49: {  	_ =	shalt  }
0x4a: {  	_ =	shalt  }
0x4b: {  	_ =	shalt  }
0x4c: {  	_ =	shalt  }
0x4d: {  	_ =	shalt  }
0x4e: {  	_ =	shalt  }
0x4f: {  	_ =	shalt  }
0x50: {  	_ =	shalt  }
0x51: {  	_ =	shalt  }
0x52: {  	_ =	shalt  }
0x53: {  	_ =	shalt  }
0x54: {  	_ =	shalt  }
0x55: {  	_ =	shalt  }
0x56: {  	_ =	shalt  }
0x57: {  	_ =	shalt  }
0x58: {  	_ =	shalt  }
0x59: {  	_ =	shalt  }
0x5a: {  	_ =	shalt  }
0x5b: {  	_ =	shalt  }
0x5c: {  	_ =	shalt  }
0x5d: {  	_ =	shalt  }
0x5e: {  	_ =	shalt  }
0x5f: {  	_ =	shalt  }
0x60: {  	_ =	shalt  }
0x61: {  	_ =	shalt  }
0x62: {  	_ =	shalt  }
0x63: {  	_ =	shalt  }
0x64: {  	_ =	shalt  }
0x65: {  	_ =	shalt  }
0x66: {  	_ =	shalt  }
0x67: {  	_ =	shalt  }
0x68: {  	_ =	shalt  }
0x69: {  	_ =	shalt  }
0x6a: {  	_ =	shalt  }
0x6b: {  	_ =	shalt  }
0x6c: {  	_ =	shalt  }
0x6d: {  	_ =	shalt  }
0x6e: {  	_ =	shalt  }
0x6f: {  	_ =	shalt  }
0x70: {  	_ =	shalt  }
0x71: {  	_ =	shalt  }
0x72: {  	_ =	shalt  }
0x73: {  	_ =	shalt  }
0x74: {  	_ =	shalt  }
0x75: {  	_ =	shalt  }
0x76: {  	_ =	shalt  }
0x77: {  	_ =	shalt  }
0x78: {  	_ =	shalt  }
0x79: {  	_ =	shalt  }
0x7a: {  	_ =	shalt  }
0x7b: {  	_ =	shalt  }
0x7c: {  	_ =	shalt  }
0x7d: {  	_ =	shalt  }
0x7e: {  	_ =	shalt  }
0x7f: {  	_ =	shalt  }
0x80: {  	_ =	shalt  }
0x81: {  	_ =	shalt  }
0x82: {  	_ =	shalt  }
0x83: {  	_ =	shalt  }
0x84: {  	_ =	shalt  }
0x85: {  	_ =	shalt  }
0x86: {  	_ =	shalt  }
0x87: {  	_ =	shalt  }
.Lfunc_end0:
.L_simem_size_0:
called_computation_lowered:
.L_overlay_start_0:
0x88: {  	s2 =	sld [smem:$0x3FD9]  }
0x89: {  	s3 =	sld [smem:$0x3FFE];
	_ =	sdelay $0x1  }
0x8a: {  	s1 =	srdreg.scid  }
0x8b: {  	s0 =	sand.u32 $0x1, s1  }
0x8c: {  	s17 =	sshll.u32 s0, $0xA;
	s2 =	sadd.s32 s3, s2  }
0x8d: {  	s2 =	sadd.s32 s2, s17  }
0x8e: {  	[smem:$0x3FC6] =	sst s2  }
0x8f: {  	_ = 	snop  }
0x90: {  	s2 =	sld [smem:$0x3FC8]  }
0x91: {  	s18 =	sld [smem:$0x3FD0];
	(tm) =	ssettm $0x1  }
0x92: {  	s4 =	sld [smem:$0x3FFB];
	_ =	sdelay $0x3  }
0x93: {  	_ =	strace s4  }
0x94: {  	s4 =	sld [smem:$0x3FFC];
	_ =	sdelay $0x3  }
0x95: {  	_ =	strace s4  }
0x96: {  	s4 =	sld [smem:$0x3FFD];
	_ =	sdelay $0x3  }
0x97: {  	_ =	strace s4  }
0x98: {  	_ =	strace $0x8FFFFFFF  }
0x99: {  	s19 =	sld [smem:$0x3FDB];
	_ =	sdelay $0x1  }
0x9a: {  	s5 =	simm.s32 $_scs_section_size  }
0x9b: {  	s6 =	simm.s32 $_size__tile_overlayer_lowered;
	s7 =	simm.s32 $_tile_overlayer_lowered  }
0x9c: {  	s22 =	simm.s32 $0x1BFF;
	s21 =	sshll.u32 s7, $0x1;
	s4 =	sadd.s32 s5, s19  }
0x9d: {  	s8 =	simm.s32 $0x0;
	s20 =	sshll.u32 s6, $0x1;
	s6 =	sadd.s32 s21, s4  }
0x9e: {  	[timem:s8], [sflag:s22] =	dma.local [hbm:s6], s20  }
0x9f: {  	_ =	swait.ge [sflag:s22], s20  }
0xa0: {  	s5 =	ssub.s32 $0x0, s20;
	[sflag:s22] =	ssyncset.done $0x0  }
0xa1: {  	[sflag:s22] =	ssyncadd.s32 s5;
	_ =	sdelay $0x1  }
0xa2: {  	s23 =	simm.s32 $0x1B8B  }
0xa3: {  	_ =	swait.ge [sflag:s23], $0x1  }
0xa4: {  	[sflag:s23] =	ssyncset.done $0x0  }
0xa5: {  	s25 =	simm.s32 $0x1B8E;
	s24 =	sld [smem:$0x3FFE];
	[sflag:s23] =	ssyncadd.s32 $0xFFFFFFFF  }
0xa6: {  	s26 =	simm.s32 $execute0_lowered;
	[smem:$0x3FD2] =	sst s25  }
0xa7: {  	s6 =	sshll.u32 s26, $0x1;
	_ =	strace $0x80000046;
	[dreg:$0x1] =	wrdreg $0xFFFFFFFF  }
0xa8: {  	s28 =	simm.s32 $_size_execute0_lowered;
	s4 =	sadd.s32 s4, s6;
	[dreg:$0x0] =	wrdreg $0x0  }
0xa9: {  	s6 =	sshll.u32 s28, $0x1;
	[dreg:$0x2] =	wrdreg s4  }
0xaa: {  	[dreg:$0x3] =	wrdreg s6  }
0xab: {  	[dreg:$0x4] =	wrdreg $0xC0  }
0xac: {  	_ =	task [dreg:s8], $0x5FFFF  }
0xad: {  	[dreg:$0x1] =	wrdreg $0xFFFFFFFF  }
0xae: {  	[dreg:$0x0] =	wrdreg $0x60  }
0xaf: {  	[dreg:$0x2] =	wrdreg s18  }
0xb0: {  	[dreg:$0x3] =	wrdreg s2  }
0xb1: {  	[dreg:$0x4] =	wrdreg s24  }
0xb2: {  	[dreg:$0x5] =	wrdreg $0x9  }
0xb3: {  	_ =	task.clear_ibuf [dreg:s8], $0x6FFFF;
	_ =	strace $0x90000046  }
0xb4: {  	s29 =	simm.s32 $0x9;
	_ =	strace $0x80000048  }
0xb5: {  	_ =	swait.ge [sflag:s29], $0x1  }
0xb6: {  	[sflag:s29] =	ssyncadd.s32 $0xFFFFFFFF  }
0xb7: {  	_ =	strace $0x90000048  }
0xb8: {  	_ =	sfence  }
0xb9: {  	s30 =	sld [smem:$0x0];
	_ =	sdelay $0x2  }
0xba: {  	s31 =	sshll.u32 s1, $0xD;
	s1 =	sshrl.u32 s1, $0x2  }
0xbb: {  	s3 =	sand.u32 $0x4000, s31;
	s1 =	sadd.s32 s1, s30  }
0xbc: {  	s0 =	sor.u32 s3, s0;
	s1 =	sshll.u32 s1, $0x11  }
0xbd: {  	s0 =	sor.u32 s1, s0  }
0xbe: {  	s0 =	sadd.s32 $0x8F2B, s0  }
0xbf: {  	[sflag:s0] =	ssyncadd.remote.s32 $0x1  }
0xc0: {  	_ =	sfence.sel $0xFFFF  }
0xc1: {  	[dreg:$0x0] =	wrdreg $0xFFFFFFFF;
	(pc) =	sbr.abs _section_cstart, $3  }
0xc2: {  	[dreg:$0x1] =	wrdreg $0xFFFFFFFF  }
0xc3: {  	_ =	task.clear_ibuf [dreg:s8], $0x2FFFF;
	_ =	strace $0x9FFFFFFF  }
0xc4: {  	(tm) =	ssettm $0x7FFFFFFF  }
0xc5: {  	_ =	shalt  }
tec
execute0_lowered:
.L_overlay_start_1:
0x0: {  	(tag) =	ssettag $0x1  }
0x1: {  	v0 =	vimm.s32 $0xBA98FEDC;
	v1 =	vimm.s32 $0x76543210;
	v2 =	vimm.s32 $0xFEDCBA98  }
0x2: {  	s5 =	rddreg [dreg:$0x0];
	v3 =	vimm.s32 $0x32107654;
	v4 =	vimm.s32 $0xDCFE98BA;
	v5 =	vimm.s32 $0x54761032  }
0x3: {  	s1 =	rddreg [dreg:$0x1];
	s2 =	srdreg.scid;
	v6 =	vimm.s32 $0xEFCDAB89;
	v7 =	vimm.s32 $0x67452301;
	v0 =	vunpack.c.l.s4.s8 v0  }
0x4: {  	s0 =	stileid.u32;
	s6 =	rddreg [dreg:$0x2];
	s3 =	simm.s32 $0x0;
	v1 =	vunpack.c.l.s4.s8 v1;
	v2 =	vunpack.c.l.s4.s8 v2;
	v3 =	vunpack.c.l.s4.s8 v3  }
0x5: {  	s11 =	simm.s32 $0x1000;
	s12 =	simm.s32 $0x0;
	s7 =	sand.u32 $0x1, s2;
	v4 =	vunpack.c.l.s4.s8 v4;
	v5 =	vunpack.c.l.s4.s8 v5;
	v6 =	vunpack.c.l.s4.s8 v6  }
0x6: {  	s4 =	sshll.u32 s0, $0x1;
	s2 =	rddreg [dreg:$0x3];
	s9 =	sshll.u32 s0, $0xA;
	v7 =	vunpack.c.l.s4.s8 v7;
	v0 =	vunpack.c.0.s8.s32 v0;
	v3 =	vunpack.c.0.s8.s32 v3  }
0x7: {  	[smem:$0x7FF] =	sst s3;
	s8 =	sor.u32 s7, s4;
	s4 =	sand.u32 $0x10, s4;
	v8 =	vunpack.c.0.s8.s32 v2;
	v2 =	vunpack.c.0.s8.s32 v4;
	v4 =	vunpack.c.0.s8.s32 v5  }
0x8: {  	s7 =	ssub.s32 $0x2, s7;
	s10 =	sshll.u32 s8, $0x4;
	s8 =	ssub.s32 s8, s4;
	v5 =	vunpack.c.0.s8.s32 v7;
	v0 =	vcombine.low v3, v0;
	v3 =	vunpack.c.0.s8.s32 v6  }
0x9: {  	_ =	strace $0x80000047;
	s31 =	sshrl.u32 s7, $0x1;
	v7 =	vunpack.c.0.s8.s32 v1;
	s9 =	sor.u32 s9, s10;
	v6 =	vmov s8;
	v1 =	vcombine.low v4, v2  }
0xa: {  	s7 =	ssub.s32 s7, s31;
	s10 =	simm.s32 $0x1;
	s9 =	sand.u32 $0x3070, s9;
	v2 =	vlaneseq.u32;
	v4 =	vand.u32 $0xF, v8;
	v3 =	vcombine.low v5, v3  }
0xb: {  	s7 =	smax.u32 s7, $0x1;
	s8 =	simm.s32 $0x80;
	s6 =	sadd.s32 s9, s6;
	vm0 =	veq.s32 v6, v2;
	v4 =	vcombine.low v4, v7  }
0xc: {  	s5 =	sadd.s32 s5, s9;
	s9 =	simm.s32 $0x400;
	s6 =	sadd.s32 $0x800, s6;
	v5 =	vand.u32 $0xF, v0;
	v6 =	vand.u32 $0xF, v1;
	v7 =	vand.u32 $0xF, v3  }
.LBB2_1:
0xd: {  	[tilespmem:s3], [sflag:$0x1] =	stream.strided.gather [hbm4b:s5+s8], $0x1000, s9, s8, $0x38;
	[tilespmem:$0x1080] =	vst v63  }
0xe: {  	_ =	swait.ge [sflag:s10], $0x1000  }
0xf: {  	[sflag:s10] =	ssyncset.done $0x0  }
0x10: {  	[sflag:s10] =	ssyncadd.s32 $0xFFFFF000  }
0x11: {  	[tilespmem:s11], [sflag:$0x1] =	stream.linear.gather [hbm4b:s1+s3], $0x80, $0x38;
	[tilespmem:$0x1080] =	vst v63  }
0x12: {  	_ =	swait.ge [sflag:s10], $0x80  }
0x13: {  	[sflag:s10] =	ssyncset.done $0x0  }
0x14: {  	[sflag:s10] =	ssyncadd.s32 $0xFFFFFF80  }
0x15: {  	v8 =	vld [tilespmem:s4+$0x1000];
	_ =	sdelay $0x4  }
0x16: {  	v8 =	vnsel vm0, $0xFFFFFFFF, v8  }
0x17: {  	v9 =	vperm.xlane v8, v4;
	_ =	sdelay $0x1  }
0x18: {  	vm1 =	vgt.s32 v8, v9  }
0x19: {  	v8 =	vsel vm1, v8, v9  }
0x1a: {  	v9 =	vperm.xlane v8, v0;
	_ =	sdelay $0x1  }
0x1b: {  	vm1 =	vgt.s32 v8, v9  }
0x1c: {  	v8 =	vsel vm1, v8, v9  }
0x1d: {  	v9 =	vperm.xlane v8, v1;
	_ =	sdelay $0x1  }
0x1e: {  	v10 =	vld [tilespmem:s3+$0x0];
	vm1 =	vgt.s32 v8, v9  }
0x1f: {  	v8 =	vsel vm1, v8, v9  }
0x20: {  	v9 =	vperm.xlane v8, v3;
	_ =	sdelay $0x1  }
0x21: {  	vm1 =	vgt.s32 v8, v9  }
0x22: {  	v11 =	vmul.f32 $1.000000000e+01, v10;
	v8 =	vsel vm1, v8, v9;
	v9 =	vor.u32 s3, v2  }
0x23: {  	vm1 =	vlt.s32 v9, v8  }
0x24: {  	s13 =	simm.s32 $0x10;
	s15 =	simm.s32 $0x20;
	s14 =	simm.s32 $0x0;
	v10 =	vimm.f32 $0.0e+00;
	v9 =	vimm.f32 $-3.000000010e+38;
	v11 =	vnsel vm1, $0xC61C4000, v11  }
.LBB2_2:
0x25: {  	p0 =	sne.s32 s15, $0xFF0;
	[tilespmem:s14+$0x0] =	vst v11;
	v9 =	vmax.f32 v9, v11;
	v11 =	vmax.f32 v11, $0.0e+00;
	s14 =	sadd.s32 $0x10, s14  }
0x26: {  	v12 =	vld [tilespmem:s14+$0x0];
	v11 =	vmin.f32 v11, $1.000000000e+00  }
0x27: {  	v10 =	vadd.f32 v11, v10;
	_ =	sdelay $0x1  }
.Ltmp0:
0x28: {  	(pc) =	sbr.rel @p0 .LBB2_2-.Ltmp0, $4  }
0x29: {  	_ = 	snop  }
0x2a: {  	v11 =	vor.u32 s13, v2;
	s13 =	smov.u32 s15;
	v12 =	vmul.f32 $1.000000000e+01, v12  }
0x2b: {  	vm1 =	vlt.s32 v11, v8  }
0x2c: {  	s15 =	sadd.s32 $0x10, s15;
	v11 =	vnsel vm1, $0xC61C4000, v12  }
0x2d: {  	[tilespmem:s14+$0x0] =	vst v11;
	s31 =	sadd.s32 $0x10, s14  }
0x2e: {  	v12 =	vld [tilespmem:s31+$0x0];
	_ =	sdelay $0x4  }
0x2f: {  	v13 =	vor.u32 s13, v2;
	v12 =	vmul.f32 $1.000000000e+01, v12  }
0x30: {  	vm1 =	vlt.s32 v13, v8;
	v13 =	vmax.f32 v11, $0.0e+00  }
0x31: {  	v13 =	vmin.f32 v13, $1.000000000e+00;
	v12 =	vnsel vm1, $0xC61C4000, v12  }
0x32: {  	v10 =	vadd.f32 v13, v10;
	v13 =	vmax.f32 v12, $0.0e+00  }
0x33: {  	v13 =	vmin.f32 v13, $1.000000000e+00  }
0x34: {  	v9 =	vmax.f32 v9, v11;
	v10 =	vadd.f32 v13, v10  }
0x35: {  	v9 =	vmax.f32 v9, v12  }
0x36: {  	v11 =	vperm.xlane v9, v4;
	v13 =	vperm.xlane v10, v4;
	_ =	sdelay $0x1  }
0x37: {  	v8 =	vcvt.s32.f32 v8;
	v9 =	vmax.f32 v9, v11;
	v10 =	vadd.f32 v13, v10  }
0x38: {  	v11 =	vperm.xlane v9, v5  }
0x39: {  	v8 =	vmul.f32 $2.000000030e-01, v8;
	v13 =	vperm.xlane v10, v5  }
0x3a: {  	v9 =	vmax.f32 v9, v11  }
0x3b: {  	v8 =	vadd.f32 $5.000000000e-01, v8;
	v11 =	vperm.xlane v9, v6;
	v10 =	vadd.f32 v13, v10;
	_ =	sdelay $0x1  }
0x3c: {  	v8 =	vtrunc.f32 v8;
	v11 =	vmax.f32 v9, v11;
	v9 =	vperm.xlane v10, v6  }
0x3d: {  	v8 =	vcvt.f32.s32 v8  }
0x3e: {  	v13 =	vperm.xlane v11, v7;
	v9 =	vadd.f32 v9, v10  }
0x3f: {  	[tilespmem:s31+$0x0] =	vst v12;
	v12 =	vimm.f32 $0.0e+00;
	v8 =	vcvt.s32.f32 v8  }
0x40: {  	s13 =	simm.s32 $0x0;
	v10 =	vmax.f32 v11, v13;
	v13 =	vimm.f32 $0.0e+00;
	v11 =	vperm.xlane v9, v7  }
.LBB2_4:
0x41: {  	s14 =	simm.s32 $0x0  }
0x42: {  	v15 =	vld [tilespmem:s14+$0x60]  }
0x43: {  	v16 =	vld [tilespmem:s14+$0x50]  }
0x44: {  	v17 =	vld [tilespmem:s14+$0x70]  }
0x45: {  	v18 =	vld [tilespmem:s14+$0x0]  }
0x46: {  	v19 =	vld [tilespmem:s14+$0x30]  }
0x47: {  	v20 =	vld [tilespmem:s14+$0x40]  }
0x48: {  	v14 =	vadd.f32 v10, v12;
	s15 =	simm.s32 $0x80;
	v21 =	vld [tilespmem:s14+$0x20]  }
0x49: {  	v22 =	vld [tilespmem:s15+$0x60]  }
0x4a: {  	v25 =	vld [tilespmem:s15+$0x50];
	v14 =	vmul.f32 $5.000000000e-01, v14  }
0x4b: {  	v29 =	vld [tilespmem:s15+$0x0]  }
0x4c: {  	v15 =	vsub.f32 v15, v14;
	v18 =	vsub.f32 v18, v14  }
0x4d: {  	v16 =	vsub.f32 v16, v14;
	v19 =	vsub.f32 v19, v14  }
0x4e: {  	v17 =	vsub.f32 v17, v14;
	v20 =	vsub.f32 v20, v14  }
0x4f: {  	v23 =	vld [tilespmem:s14+$0x10];
	v21 =	vsub.f32 v21, v14;
	v27 =	vsub.f32 v22, v14  }
0x50: {  	v25 =	vsub.f32 v25, v14;
	v29 =	vsub.f32 v29, v14;
	v15 =	vmax.f32 v15, $0.0e+00  }
0x51: {  	v18 =	vmax.f32 v18, $0.0e+00;
	v24 =	vmax.f32 v16, $0.0e+00;
	v17 =	vmax.f32 v17, $0.0e+00  }
0x52: {  	v22 =	vld [tilespmem:s15+$0x70];
	v20 =	vmax.f32 v20, $0.0e+00;
	v19 =	vmax.f32 v19, $0.0e+00;
	v16 =	vmin.f32 v18, $1.000000000e+00  }
0x53: {  	v21 =	vmax.f32 v21, $0.0e+00;
	v18 =	vld [tilespmem:s15+$0x30];
	v26 =	vadd.f32 v16, v13;
	v16 =	vmin.f32 v17, $1.000000000e+00  }
0x54: {  	v17 =	vmin.f32 v20, $1.000000000e+00;
	v20 =	vmin.f32 v24, $1.000000000e+00;
	v24 =	vsub.f32 v23, v14;
	v23 =	vld [tilespmem:s15+$0x10]  }
0x55: {  	v28 =	vmax.f32 v27, $0.0e+00;
	v15 =	vmin.f32 v15, $1.000000000e+00;
	v30 =	vmin.f32 v21, $1.000000000e+00  }
0x56: {  	v27 =	vmin.f32 v19, $1.000000000e+00;
	v17 =	vadd.f32 v17, v26;
	v24 =	vmax.f32 v24, $0.0e+00;
	v26 =	vld [tilespmem:s15+$0x40]  }
0x57: {  	v30 =	vadd.f32 v30, v13;
	v31 =	vmin.f32 v24, $1.000000000e+00;
	v24 =	vimm.f32 $0.0e+00  }
0x58: {  	s14 =	simm.s32 $0x400;
	v19 =	vld [tilespmem:s15+$0x20];
	v21 =	vsub.f32 v18, v14;
	v18 =	vmax.f32 v25, $0.0e+00;
	v25 =	vimm.f32 $0.0e+00  }
.LBB2_5:
0x59: {  	s15 =	sshra.s32 s14, $0x2;
	p0 =	sne.s32 s14, $0x3E00;
	s14 =	sadd.s32 $0x200, s14;
	v28 =	vmin.f32 v28, $1.000000000e+00;
	v22 =	vsub.f32 v22, v14;
	v25 =	vadd.f32 v31, v25;
	v31 =	vmovc v23  }
0x5a: {  	v24 =	vadd.f32 v27, v24;
	v32 =	vld [tilespmem:s15+$0x60];
	v23 =	vmax.f32 v29, $0.0e+00;
	v30 =	vadd.f32 v15, v30;
	v15 =	vmovc v28  }
0x5b: {  	v27 =	vld [tilespmem:s15+$0x50];
	v26 =	vsub.f32 v26, v14;
	v28 =	vmax.f32 v22, $0.0e+00;
	v25 =	vadd.f32 v20, v25  }
0x5c: {  	v20 =	vmin.f32 v23, $1.000000000e+00;
	v24 =	vadd.f32 v16, v24;
	v22 =	vld [tilespmem:s15+$0x70];
	v16 =	vmin.f32 v28, $1.000000000e+00  }
0x5d: {  	v21 =	vmax.f32 v21, $0.0e+00;
	v17 =	vadd.f32 v20, v17;
	v29 =	vld [tilespmem:s15+$0x30];
	v20 =	vmax.f32 v26, $0.0e+00  }
0x5e: {  	v26 =	vsub.f32 v19, v14;
	v33 =	vld [tilespmem:s15+$0x0];
	v19 =	vmin.f32 v20, $1.000000000e+00  }
.Ltmp1:
0x5f: {  	v20 =	vmin.f32 v18, $1.000000000e+00;
	v23 =	vld [tilespmem:s15+$0x10];
	v28 =	vsub.f32 v32, v14;
	v17 =	vadd.f32 v19, v17;
	(pc) =	sbr.rel @p0 .LBB2_5-.Ltmp1, $4  }
0x60: {  	v31 =	vsub.f32 v31, v14;
	v19 =	vld [tilespmem:s15+$0x20];
	v18 =	vsub.f32 v27, v14;
	v27 =	vmax.f32 v26, $0.0e+00  }
0x61: {  	v26 =	vld [tilespmem:s15+$0x40];
	v28 =	vmax.f32 v28, $0.0e+00;
	v32 =	vmin.f32 v27, $1.000000000e+00;
	v27 =	vmin.f32 v21, $1.000000000e+00  }
0x62: {  	v31 =	vmax.f32 v31, $0.0e+00;
	v21 =	vsub.f32 v29, v14;
	v18 =	vmax.f32 v18, $0.0e+00  }
0x63: {  	v31 =	vmin.f32 v31, $1.000000000e+00;
	v30 =	vadd.f32 v32, v30;
	v29 =	vsub.f32 v33, v14  }
0x64: {  	v22 =	vsub.f32 v22, v14;
	v25 =	vadd.f32 v31, v25  }
0x65: {  	v28 =	vmin.f32 v28, $1.000000000e+00;
	v24 =	vadd.f32 v27, v24;
	v23 =	vsub.f32 v23, v14  }
0x66: {  	v21 =	vmax.f32 v21, $0.0e+00;
	v18 =	vmin.f32 v18, $1.000000000e+00;
	v29 =	vmax.f32 v29, $0.0e+00  }
0x67: {  	v15 =	vadd.f32 v15, v30;
	v19 =	vsub.f32 v19, v14;
	v21 =	vmin.f32 v21, $1.000000000e+00  }
0x68: {  	v26 =	vsub.f32 v26, v14;
	v22 =	vmax.f32 v22, $0.0e+00;
	v20 =	vadd.f32 v20, v25  }
0x69: {  	v60 =	vmin.f32 v29, $1.000000000e+00;
	v16 =	vadd.f32 v16, v24;
	v23 =	vmax.f32 v23, $0.0e+00  }
0x6a: {  	v17 =	vadd.f32 v60, v17;
	v19 =	vmax.f32 v19, $0.0e+00;
	v23 =	vmin.f32 v23, $1.000000000e+00  }
0x6b: {  	v61 =	vmax.f32 v26, $0.0e+00;
	v19 =	vmin.f32 v19, $1.000000000e+00;
	v20 =	vadd.f32 v23, v20  }
0x6c: {  	v16 =	vadd.f32 v21, v16;
	v15 =	vadd.f32 v19, v15;
	v62 =	vmin.f32 v61, $1.000000000e+00  }
0x6d: {  	v22 =	vmin.f32 v22, $1.000000000e+00;
	v17 =	vadd.f32 v62, v17;
	v18 =	vadd.f32 v18, v20  }
0x6e: {  	v16 =	vadd.f32 v22, v16;
	v15 =	vadd.f32 v28, v15;
	_ =	sdelay $0x1  }
0x6f: {  	v17 =	vadd.f32 v18, v17;
	v15 =	vadd.f32 v16, v15;
	_ =	sdelay $0x1  }
0x70: {  	v15 =	vadd.f32 v15, v17;
	_ =	sdelay $0x1  }
0x71: {  	v63 =	vperm.xlane v15, v4;
	_ =	sdelay $0x1  }
0x72: {  	v15 =	vadd.f32 v63, v15;
	_ =	sdelay $0x1  }
0x73: {  	v16 =	vperm.xlane v15, v0;
	_ =	sdelay $0x1  }
0x74: {  	v15 =	vadd.f32 v16, v15;
	_ =	sdelay $0x1  }
0x75: {  	v16 =	vperm.xlane v15, v1;
	_ =	sdelay $0x1  }
0x76: {  	v15 =	vadd.f32 v16, v15  }
0x77: {  	s13 =	sadd.s32 $0x1, s13  }
0x78: {  	p0 =	sne.s32 s13, $0x3C;
	v16 =	vperm.xlane v15, v3  }
.Ltmp2:
0x79: {  	_ = 	snop;
	(pc) =	sbr.rel @p0 .LBB2_4-.Ltmp2, $3  }
0x7a: {  	v15 =	vadd.f32 v16, v15;
	_ =	sdelay $0x1  }
0x7b: {  	vm1 =	vgt.f32 v15, v8  }
0x7c: {  	v12 =	vsel vm1, v14, v12;
	v10 =	vsel vm1, v10, v14  }
0x7d: {  	v10 =	vadd.f32 v10, v12  }
0x7e: {  	v11 =	vadd.f32 v11, v9;
	s13 =	simm.s32 $0x0  }
0x7f: {  	v9 =	vld [tilespmem:s13+$0x0];
	v12 =	vmul.f32 $5.000000000e-01, v10  }
0x80: {  	vm1 =	vle.f32 v11, v8;
	v10 =	vld [tilespmem:s13+$0x10]  }
0x81: {  	s14 =	simm.s32 $0x100;
	v11 =	vld [tilespmem:s13+$0x20];
	v8 =	vsel vm1, $0x0, v12  }
.LBB2_8:
0x82: {  	p0 =	sne.s32 s14, $0x3F00;
	v12 =	vld [tilespmem:s13+$0x30];
	_ =	sdelay $0x1  }
0x83: {  	v9 =	vsub.f32 v9, v8  }
0x84: {  	v10 =	vsub.f32 v10, v8  }
0x85: {  	v9 =	vmax.f32 v9, $0.0e+00;
	v11 =	vsub.f32 v11, v8  }
.Ltmp3:
0x86: {  	v9 =	vmin.f32 v9, $1.000000000e+00;
	v10 =	vmax.f32 v10, $0.0e+00;
	v12 =	vsub.f32 v12, v8;
	(pc) =	sbr.rel @p0 .LBB2_8-.Ltmp3, $4  }
0x87: {  	s15 =	sshra.s32 s14, $0x2;
	[tilespmem:s13+$0x0] =	vst v9;
	v10 =	vmin.f32 v10, $1.000000000e+00;
	v11 =	vmax.f32 v11, $0.0e+00  }
0x88: {  	v9 =	vld [tilespmem:s15+$0x0];
	[tilespmem:s13+$0x10] =	vst v10;
	v11 =	vmin.f32 v11, $1.000000000e+00;
	v12 =	vmax.f32 v12, $0.0e+00  }
0x89: {  	v10 =	vld [tilespmem:s15+$0x10];
	[tilespmem:s13+$0x20] =	vst v11;
	v12 =	vmin.f32 v12, $1.000000000e+00  }
0x8a: {  	s14 =	sadd.s32 $0x100, s14;
	v11 =	vld [tilespmem:s15+$0x20];
	[tilespmem:s13+$0x30] =	vst v12;
	s13 =	smov.u32 s15  }
0x8b: {  	v12 =	vld [tilespmem:s13+$0x30];
	_ =	sdelay $0x1  }
0x8c: {  	v9 =	vsub.f32 v9, v8  }
0x8d: {  	v10 =	vsub.f32 v10, v8  }
0x8e: {  	v9 =	vmax.f32 v9, $0.0e+00;
	v11 =	vsub.f32 v11, v8  }
0x8f: {  	v9 =	vmin.f32 v9, $1.000000000e+00;
	v10 =	vmax.f32 v10, $0.0e+00;
	v8 =	vsub.f32 v12, v8  }
0x90: {  	[tilespmem:s13+$0x0] =	vst v9;
	v61 =	vmin.f32 v10, $1.000000000e+00;
	v62 =	vmax.f32 v11, $0.0e+00  }
0x91: {  	s12 =	sadd.s32 $0x1, s12;
	[tilespmem:s13+$0x10] =	vst v61;
	v63 =	vmin.f32 v62, $1.000000000e+00;
	v8 =	vmax.f32 v8, $0.0e+00  }
0x92: {  	p0 =	sne.s32 s12, s7;
	[tilespmem:s13+$0x20] =	vst v63;
	v8 =	vmin.f32 v8, $1.000000000e+00  }
.Ltmp4:
0x93: {  	[tilespmem:s13+$0x30] =	vst v8;
	(pc) =	sbr.rel @p0 .LBB2_1-.Ltmp4, $4  }
0x94: {  	[hbm4b:s6+s8] =	stream.strided.scatter [tilespmem:s3], [sflag:$0x1], $0x1000, s9, s8, $0x38;
	[tilespmem:$0x1080] =	vst v63  }
0x95: {  	_ =	swait.ge [sflag:s10], $0x1000  }
0x96: {  	[sflag:s10] =	ssyncset.done $0x0  }
0x97: {  	[sflag:s10] =	ssyncadd.s32 $0xFFFFF000  }
0x98: {  	_ =	sfence.sel $0x180000  }
0x99: {  	[bflag:$0x0] =	sbarrier.arrive $0xFFFF  }
0x9a: {  	p0 =	sne.s32 s0, $0x0;
	_ =	strace $0x90000047  }
0x9b: {  	s0 =	sadd.s32 @!p0 $0x100000, s2;
	[bflag:$0x2] =	sbarrier.arrive $0xFFFF  }
0x9c: {  	[sflag:s0] =	ssyncadd.tile.s32 @!p0 $0x1;
	_ =	shalt  }
.Lfunc_end2:
_tile_overlayer_lowered:
.L_overlay_start_2:
0x9d: {  	(tag) =	ssettag $0x2  }
0x9e: {  	s0 =	rddreg [dreg:$0x0];
	s2 =	stileid.u32  }
0x9f: {  	s1 =	rddreg [dreg:$0x1];
	p0 =	sne.s32 s2, $0x0  }
0xa0: {  	s3 =	rddreg [dreg:$0x2];
	[bflag:$0x3] =	sbarrier.arrive $0xFFFF;
	s2 =	simm.s32 @!p0 $0x1C01  }
0xa1: {  	[timem:s3], [sflag:s2] =	dma.local @!p0 [hbm:s0], s1  }
0xa2: {  	s0 =	simm.s32 @!p0 $0x1  }
0xa3: {  	_ =	swait.ge @!p0 [sflag:s0], s1  }
0xa4: {  	s1 =	ssub.s32 @!p0 $0x0, s1;
	[sflag:s0] =	ssyncset.done @!p0 $0x0  }
0xa5: {  	[sflag:s0] =	ssyncadd.s32 @!p0 s1  }
0xa6: {  	[bflag:$0x3] =	sbarrier.arrive $0xFFFF  }
0xa7: {  	_ =	shalt  }

</sc_bundles>
